<compile_context>
chip_gen: v7x
topology: tpu7x:2x2x1
jax: 0.10.2.dev20260603
libtpu: 0.0.44.dev20260713+nightly
codegen_flags: <defaults>
</compile_context>

<pallas_src>
import functools

import jax
import jax.numpy as jnp
from jax import lax
from jax.experimental import pallas as pl
from jax.experimental.pallas import tpu as pltpu
from jax.experimental.pallas import tpu_sc as plsc

N = 10000
E = 320000
D = 128
C = 40
CP = 64
EPS = 1e-5
NC, NS = 2, 16
NW = NC * NS
EW = E // NW
K = 80
NCH = EW // K
NPAD = 10240
RPT = NPAD // NS
DW_DEG = 16

_MESH = plsc.VectorSubcoreMesh(core_axis_name="c", subcore_axis_name="s")
_SC_PARAMS = pltpu.CompilerParams(use_tc_tiling_on_sc=False)


@functools.partial(
    pl.kernel,
    out_type=jax.ShapeDtypeStruct((NC, NPAD, DW_DEG), jnp.float32),
    mesh=_MESH,
    scratch_types=[
        pltpu.VMEM_SHARED((NPAD, DW_DEG), jnp.float32),
        pltpu.VMEM((NCH, K), jnp.int32),
        pltpu.VMEM((K, DW_DEG), jnp.float32),
        pltpu.VMEM((K, DW_DEG), jnp.float32),
        pltpu.SemaphoreType.DMA,
    ],
    compiler_params=_SC_PARAMS,
)
def _sc_deg(dst3_hbm, ones_hbm, zeros_hbm, out_hbm, acc, didx, ones_v, stage,
            sem):
    c = lax.axis_index("c")
    s = lax.axis_index("s")
    wid = c * NS + s
    pltpu.sync_copy(zeros_hbm, stage)
    pltpu.sync_copy(ones_hbm, ones_v)

    def zb(j, carry):
        pltpu.sync_copy(stage, acc.at[pl.ds(s * RPT + j * K, K)])
        return carry

    lax.fori_loop(0, RPT // K, zb, 0)
    pltpu.sync_copy(dst3_hbm.at[wid], didx)
    plsc.subcore_barrier()

    def fire(i, carry):
        pltpu.async_copy(ones_v, acc.at[didx.at[i]], sem, add=True)
        return carry

    lax.fori_loop(0, NCH, fire, 0)

    def drain(i, carry):
        pltpu.make_async_copy(ones_v, acc.at[didx.at[i]], sem).wait()
        return carry

    lax.fori_loop(0, NCH, drain, 0)
    plsc.subcore_barrier()

    def outb(j, carry):
        row0 = s * RPT + j * K
        pltpu.sync_copy(acc.at[pl.ds(row0, K)], stage)
        pltpu.sync_copy(stage, out_hbm.at[c, pl.ds(row0, K)])
        return carry

    lax.fori_loop(0, RPT // K, outb, 0)


def _make_sc_agg(dw):
    @functools.partial(
        pl.kernel,
        out_type=jax.ShapeDtypeStruct((NC, NPAD, dw), jnp.float32),
        mesh=_MESH,
        scratch_types=[
            pltpu.VMEM_SHARED((NPAD, dw), jnp.float32),
            pltpu.VMEM((K,), jnp.int32),
            pltpu.VMEM((K,), jnp.int32),
            pltpu.VMEM((K, dw), jnp.float32),
            pltpu.VMEM((K,), jnp.int32),
            pltpu.VMEM((K,), jnp.int32),
            pltpu.VMEM((K, dw), jnp.float32),
            pltpu.SemaphoreType.DMA,
            pltpu.SemaphoreType.DMA,
        ],
        compiler_params=_SC_PARAMS,
    )
    def agg(xs_hbm, src_hbm, dst_hbm, zeros_hbm, out_hbm,
            acc, sidxa, didxa, msga, sidxb, didxb, msgb, sema, semb):
        c = lax.axis_index("c")
        s = lax.axis_index("s")
        wid = c * NS + s
        pltpu.sync_copy(zeros_hbm, msga)

        def zb(j, carry):
            pltpu.sync_copy(msga, acc.at[pl.ds(s * RPT + j * K, K)])
            return carry

        lax.fori_loop(0, RPT // K, zb, 0)
        plsc.subcore_barrier()

        eoff = wid * EW

        pltpu.sync_copy(src_hbm.at[pl.ds(eoff, K)], sidxa)
        pltpu.sync_copy(dst_hbm.at[pl.ds(eoff, K)], didxa)
        pltpu.async_copy(xs_hbm.at[sidxa], msga, sema)
        pltpu.sync_copy(src_hbm.at[pl.ds(eoff + K, K)], sidxb)
        pltpu.sync_copy(dst_hbm.at[pl.ds(eoff + K, K)], didxb)
        pltpu.async_copy(xs_hbm.at[sidxb], msgb, semb)

        def body(i, carry):
            j0 = 2 * i
            j1 = 2 * i + 1
            pltpu.make_async_copy(xs_hbm.at[sidxa], msga, sema).wait()
            pltpu.sync_copy(msga, acc.at[didxa], add=True)
            base0 = eoff + (j0 + 2) * K
            pltpu.sync_copy(src_hbm.at[pl.ds(base0, K)], sidxa)
            pltpu.sync_copy(dst_hbm.at[pl.ds(base0, K)], didxa)
            pltpu.async_copy(xs_hbm.at[sidxa], msga, sema)

            pltpu.make_async_copy(xs_hbm.at[sidxb], msgb, semb).wait()
            pltpu.sync_copy(msgb, acc.at[didxb], add=True)
            base1 = eoff + (j1 + 2) * K
            pltpu.sync_copy(src_hbm.at[pl.ds(base1, K)], sidxb)
            pltpu.sync_copy(dst_hbm.at[pl.ds(base1, K)], didxb)
            pltpu.async_copy(xs_hbm.at[sidxb], msgb, semb)

            return carry

        lax.fori_loop(0, (NCH - 1) // 2, body, 0)
        pltpu.make_async_copy(xs_hbm.at[sidxa], msga, sema).wait()
        pltpu.sync_copy(msga, acc.at[didxa], add=True)
        base_t = eoff + NCH * K
        pltpu.sync_copy(src_hbm.at[pl.ds(base_t, K)], sidxa)
        pltpu.async_copy(xs_hbm.at[sidxa], msga, sema)
        pltpu.make_async_copy(xs_hbm.at[sidxa], msga, sema).wait()
        pltpu.make_async_copy(xs_hbm.at[sidxb], msgb, semb).wait()
        plsc.subcore_barrier()

        def outb(j, carry):
            row0 = s * RPT + j * K
            pltpu.sync_copy(acc.at[pl.ds(row0, K)], msga)
            pltpu.sync_copy(msga, out_hbm.at[c, pl.ds(row0, K)])
            return carry

        lax.fori_loop(0, RPT // K, outb, 0)

    return agg


_sc_agg_d = _make_sc_agg(D)
_sc_agg_c = _make_sc_agg(CP)


def _tc_pre_body(x_ref, w1_ref, dp_ref, xs1_ref, dinv_ref):
    deg = dp_ref[0, :N, 0:1] + dp_ref[1, :N, 0:1] + 1.0
    dinv = lax.rsqrt(deg)
    xw = jnp.dot(x_ref[...], w1_ref[...], preferred_element_type=jnp.float32)
    xs1_ref[...] = xw * dinv
    dinv_ref[...] = dinv


def _tc_mid_body(s1_ref, xs1_ref, dinv_ref, b1_ref, g1_ref, be1_ref, w2_ref,
                 xs2_ref):
    dinv = dinv_ref[...]
    t = dinv * (s1_ref[0, :N, :] + s1_ref[1, :N, :] + xs1_ref[...]) + b1_ref[...]
    mean = jnp.mean(t, axis=0, keepdims=True)
    ctr = t - mean
    var = jnp.mean(ctr * ctr, axis=0, keepdims=True)
    h = g1_ref[...] * ctr * lax.rsqrt(var + EPS) + be1_ref[...]
    h = jnp.maximum(h, 0.0)
    xw2 = jnp.dot(h, w2_ref[...], preferred_element_type=jnp.float32)
    xs2_ref[...] = xw2 * dinv


def _tc_final_body(s2_ref, xs2_ref, dinv_ref, b2_ref, g2_ref, be2_ref, o_ref):
    dinv = dinv_ref[...]
    t = dinv * (s2_ref[0, :N, :] + s2_ref[1, :N, :] + xs2_ref[...]) + b2_ref[...]
    mean = jnp.mean(t, axis=0, keepdims=True)
    ctr = t - mean
    var = jnp.mean(ctr * ctr, axis=0, keepdims=True)
    o_ref[...] = g2_ref[...] * ctr * lax.rsqrt(var + EPS) + be2_ref[...]


_tc_pre = pl.pallas_call(
    _tc_pre_body,
    out_shape=[
        jax.ShapeDtypeStruct((N, D), jnp.float32),
        jax.ShapeDtypeStruct((N, 1), jnp.float32),
    ],
)

_tc_mid = pl.pallas_call(
    _tc_mid_body,
    out_shape=jax.ShapeDtypeStruct((N, CP), jnp.float32),
)

_tc_final = pl.pallas_call(
    _tc_final_body,
    out_shape=jax.ShapeDtypeStruct((N, CP), jnp.float32),
)


def kernel(x, edge_index, W1, b1, gamma1, beta1, W2, b2, gamma2, beta2):
    src = edge_index[0].astype(jnp.int32)
    dst = edge_index[1].astype(jnp.int32)
    src_x = jnp.pad(src, (0, 2 * K))
    dst_x = jnp.pad(dst, (0, 2 * K))

    ones16 = jnp.ones((K, DW_DEG), jnp.float32)
    zeros16 = jnp.zeros((K, DW_DEG), jnp.float32)
    dst3 = dst.reshape(NW, NCH, K)
    dp = _sc_deg(dst3, ones16, zeros16)

    xs1, dinv = _tc_pre(x, W1, dp)

    zeros_d = jnp.zeros((K, D), jnp.float32)
    s1 = _sc_agg_d(xs1, src_x, dst_x, zeros_d)

    W2p = jnp.pad(W2, ((0, 0), (0, CP - C)))
    xs2 = _tc_mid(s1, xs1, dinv, b1[None, :], gamma1[None, :],
                  beta1[None, :], W2p)

    zeros_c = jnp.zeros((K, CP), jnp.float32)
    s2 = _sc_agg_c(xs2, src_x, dst_x, zeros_c)

    b2p = jnp.pad(b2, (0, CP - C))[None, :]
    g2p = jnp.pad(gamma2, (0, CP - C))[None, :]
    be2p = jnp.pad(beta2, (0, CP - C))[None, :]
    out = _tc_final(s2, xs2, dinv, b2p, g2p, be2p)
    return out[:, :C]

# --- scband reference (transcript-rebuilt; emitter-appended) ---
"""Pipeline reference for scband-model-38603166056697 (READ-ONLY COPY).

The authoritative reference and input builder live on the scoring server;
editing this copy changes nothing except your own understanding.
"""

import jax, jax.numpy as jnp
import numpy as np

N_NODES = 10000
N_EDGES = 320000
D_IN = 128
D_HID = 128
N_CLS = 40
EPS = 1e-5


def gcn_conv(x, edge_index, W, b):
    num_nodes = x.shape[0]
    src = edge_index[0]
    dst = edge_index[1]
    loop = jnp.arange(num_nodes, dtype=src.dtype)
    src = jnp.concatenate([src, loop])
    dst = jnp.concatenate([dst, loop])
    xw = x @ W
    ones = jnp.ones(dst.shape[0], dtype=xw.dtype)
    deg = jax.ops.segment_sum(ones, dst, num_segments=num_nodes)
    dinv = jnp.where(deg > 0, deg ** -0.5, 0.0)
    norm = dinv[src] * dinv[dst]
    msg = jnp.take(xw, src, axis=0) * norm[:, None]
    out = jax.ops.segment_sum(msg, dst, num_segments=num_nodes)
    return out + b


def batch_norm(x, gamma, beta):
    mean = jnp.mean(x, axis=0)
    var = jnp.var(x, axis=0)
    xn = (x - mean) / jnp.sqrt(var + EPS)
    return gamma * xn + beta


def setup_inputs(seed: int = 0) -> dict:
    key = jax.random.key(seed)
    ks = jax.random.split(key, 8)
    x = jax.random.normal(ks[0], (N_NODES, D_IN), dtype=jnp.float32)
    edge_index = jax.random.randint(ks[1], (2, N_EDGES), 0, N_NODES, dtype=jnp.int64)
    W1 = jax.random.normal(ks[2], (D_IN, D_HID), dtype=jnp.float32) * (1.0 / np.sqrt(D_IN))
    b1 = jnp.zeros((D_HID,), dtype=jnp.float32)
    gamma1 = jnp.ones((D_HID,), dtype=jnp.float32)
    beta1 = jnp.zeros((D_HID,), dtype=jnp.float32)
    W2 = jax.random.normal(ks[3], (D_HID, N_CLS), dtype=jnp.float32) * (1.0 / np.sqrt(D_HID))
    b2 = jnp.zeros((N_CLS,), dtype=jnp.float32)
    gamma2 = jnp.ones((N_CLS,), dtype=jnp.float32)
    beta2 = jnp.zeros((N_CLS,), dtype=jnp.float32)
    return {"x": x, "edge_index": edge_index, "W1": W1, "b1": b1, "gamma1": gamma1, "beta1": beta1, "W2": W2, "b2": b2, "gamma2": gamma2, "beta2": beta2}


def reference(x, edge_index, W1, b1, gamma1, beta1, W2, b2, gamma2, beta2):
    h = gcn_conv(x, edge_index, W1, b1)
    h = batch_norm(h, gamma1, beta1)
    h = jax.nn.relu(h)
    # dropout is identity in deterministic/eval reference
    h = gcn_conv(h, edge_index, W2, b2)
    h = batch_norm(h, gamma2, beta2)
    return h

if __name__ == "__main__":
    import jax
    _d = setup_inputs()
    print(jax.jit(kernel)(*tuple(_d.values())))

</pallas_src>

<mosaic_0001>
#map = affine_map<(d0, d1) -> (0, 0)>
#map1 = affine_map<(d0, d1) -> (0)>
#map2 = affine_map<(d0, d1) -> (0, 0, 0)>
module attributes {stable_mosaic.version = 14 : i64} {
  func.func @agg(%arg0: i32, %arg1: i32, %arg2: memref<10000x64xf32, #tpu.memory_space<hbm>>, %arg3: memref<320160xi32, #tpu.memory_space<hbm>>, %arg4: memref<320160xi32, #tpu.memory_space<hbm>>, %arg5: memref<80x64xf32, #tpu.memory_space<hbm>>, %arg6: memref<2x10240x64xf32, #tpu.memory_space<hbm>>, %arg7: memref<10240x64xf32, #tpu.memory_space<vmem_shared>>, %arg8: memref<80xi32, #tpu.memory_space<vmem>>, %arg9: memref<80xi32, #tpu.memory_space<vmem>>, %arg10: memref<80x64xf32, #tpu.memory_space<vmem>>, %arg11: memref<80xi32, #tpu.memory_space<vmem>>, %arg12: memref<80xi32, #tpu.memory_space<vmem>>, %arg13: memref<80x64xf32, #tpu.memory_space<vmem>>, %arg14: memref<!tpu.dma_semaphore, #tpu.memory_space<semaphore_mem>>, %arg15: memref<!tpu.dma_semaphore, #tpu.memory_space<semaphore_mem>>) attributes {dimension_semantics = [#tpu.dimension_semantics<core_parallel>, #tpu.dimension_semantics<subcore_parallel>], iteration_bounds = array<i64: 2, 16>, scalar_prefetch = 0 : i64, scratch_operands = 9 : i64, tpu.core_type = #tpu.core_type<sc_vector_subcore>, window_params = [{transform_indices = #map}, {transform_indices = #map1}, {transform_indices = #map1}, {transform_indices = #map}, {transform_indices = #map2}]} {
    %mul3A = arith.constant 16 : i32
    %mul3A_0 = arith.muli %arg0, %mul3A : i32
    %add3A = arith.addi %mul3A_0, %arg1 : i32
    "tpu.region"() ({
      %run_scoped3A = tpu.sem_alloc : memref<!tpu.dma_semaphore, #tpu.memory_space<semaphore_mem>>
      tpu.enqueue_dma source(%arg5 : memref<80x64xf32, #tpu.memory_space<hbm>>) target(%arg10 : memref<80x64xf32, #tpu.memory_space<vmem>>) target_semaphore(%run_scoped3A : memref<!tpu.dma_semaphore, #tpu.memory_space<semaphore_mem>>)
      tpu.wait_dma2 semaphore(%run_scoped3A : memref<!tpu.dma_semaphore, #tpu.memory_space<semaphore_mem>>) src(%arg5 : memref<80x64xf32, #tpu.memory_space<hbm>>) dst(%arg10 : memref<80x64xf32, #tpu.memory_space<vmem>>)
      tpu.yield
    }) : () -> ()
    %scan3A = arith.constant 0 : i32
    %scan3A_1 = arith.constant 0 : i32
    %scan3A_2 = arith.constant 8 : i32
    %scan3A_3 = arith.addi %scan3A_1, %scan3A_2 : i32
    %scan3A_4 = arith.constant 1 : i32
    scf.for %scan3A_43 = %scan3A_1 to %scan3A_3 step %scan3A_4  : i32 {
      %mul3A_44 = arith.constant 640 : i32
      %mul3A_45 = arith.muli %arg1, %mul3A_44 : i32
      %mul3A_46 = arith.constant 80 : i32
      %mul3A_47 = arith.muli %scan3A_43, %mul3A_46 : i32
      %add3A_48 = arith.addi %mul3A_45, %mul3A_47 : i32
      "tpu.region"() ({
        %run_scoped3A = tpu.sem_alloc : memref<!tpu.dma_semaphore, #tpu.memory_space<semaphore_mem>>
        %dma_start3A_49 = arith.constant 0 : i32
        %dma_start3A_50 = tpu.memref_slice %arg7[%add3A_48, %dma_start3A_49] : memref<10240x64xf32, #tpu.memory_space<vmem_shared>> -> memref<80x64xf32, #tpu.memory_space<vmem_shared>>
        %dma_start3A_51 = arith.constant 0 : i32
        %dma_start3A_52 = tpu.memref_slice %arg7[%add3A_48, %dma_start3A_51] : memref<10240x64xf32, #tpu.memory_space<vmem_shared>> -> memref<80x64xf32, #tpu.memory_space<vmem_shared>>
        tpu.enqueue_dma source(%arg10 : memref<80x64xf32, #tpu.memory_space<vmem>>) target(%dma_start3A_52 : memref<80x64xf32, #tpu.memory_space<vmem_shared>>) target_semaphore(%run_scoped3A : memref<!tpu.dma_semaphore, #tpu.memory_space<semaphore_mem>>)
        %dma_wait3A_53 = arith.constant 0 : i32
        %dma_wait3A_54 = tpu.memref_slice %arg7[%add3A_48, %dma_wait3A_53] : memref<10240x64xf32, #tpu.memory_space<vmem_shared>> -> memref<80x64xf32, #tpu.memory_space<vmem_shared>>
        %dma_wait3A_55 = arith.constant 0 : i32
        %dma_wait3A_56 = tpu.memref_slice %arg7[%add3A_48, %dma_wait3A_55] : memref<10240x64xf32, #tpu.memory_space<vmem_shared>> -> memref<80x64xf32, #tpu.memory_space<vmem_shared>>
        tpu.wait_dma2 semaphore(%run_scoped3A : memref<!tpu.dma_semaphore, #tpu.memory_space<semaphore_mem>>) src(%arg10 : memref<80x64xf32, #tpu.memory_space<vmem>>) dst(%dma_wait3A_56 : memref<80x64xf32, #tpu.memory_space<vmem_shared>>)
        tpu.yield
      }) : () -> ()
    }
    %scan3A_5 = arith.constant 8 : i32
    %barrier3A = arith.constant 0 : index
    tpu.barrier barrier_id(%barrier3A)
    %mul3A_6 = arith.constant 10000 : i32
    %mul3A_7 = arith.muli %add3A, %mul3A_6 : i32
    "tpu.region"() ({
      %run_scoped3A = tpu.sem_alloc : memref<!tpu.dma_semaphore, #tpu.memory_space<semaphore_mem>>
      %dma_start3A_43 = tpu.memref_slice %arg3[%mul3A_7] : memref<320160xi32, #tpu.memory_space<hbm>> -> memref<80xi32, #tpu.memory_space<hbm>>
      %dma_start3A_44 = tpu.memref_slice %arg3[%mul3A_7] : memref<320160xi32, #tpu.memory_space<hbm>> -> memref<80xi32, #tpu.memory_space<hbm>>
      tpu.enqueue_dma source(%dma_start3A_44 : memref<80xi32, #tpu.memory_space<hbm>>) target(%arg8 : memref<80xi32, #tpu.memory_space<vmem>>) target_semaphore(%run_scoped3A : memref<!tpu.dma_semaphore, #tpu.memory_space<semaphore_mem>>)
      %dma_wait3A_45 = tpu.memref_slice %arg3[%mul3A_7] : memref<320160xi32, #tpu.memory_space<hbm>> -> memref<80xi32, #tpu.memory_space<hbm>>
      %dma_wait3A_46 = tpu.memref_slice %arg3[%mul3A_7] : memref<320160xi32, #tpu.memory_space<hbm>> -> memref<80xi32, #tpu.memory_space<hbm>>
      tpu.wait_dma2 semaphore(%run_scoped3A : memref<!tpu.dma_semaphore, #tpu.memory_space<semaphore_mem>>) src(%dma_wait3A_46 : memref<80xi32, #tpu.memory_space<hbm>>) dst(%arg8 : memref<80xi32, #tpu.memory_space<vmem>>)
      tpu.yield
    }) : () -> ()
    "tpu.region"() ({
      %run_scoped3A = tpu.sem_alloc : memref<!tpu.dma_semaphore, #tpu.memory_space<semaphore_mem>>
      %dma_start3A_43 = tpu.memref_slice %arg4[%mul3A_7] : memref<320160xi32, #tpu.memory_space<hbm>> -> memref<80xi32, #tpu.memory_space<hbm>>
      %dma_start3A_44 = tpu.memref_slice %arg4[%mul3A_7] : memref<320160xi32, #tpu.memory_space<hbm>> -> memref<80xi32, #tpu.memory_space<hbm>>
      tpu.enqueue_dma source(%dma_start3A_44 : memref<80xi32, #tpu.memory_space<hbm>>) target(%arg9 : memref<80xi32, #tpu.memory_space<vmem>>) target_semaphore(%run_scoped3A : memref<!tpu.dma_semaphore, #tpu.memory_space<semaphore_mem>>)
      %dma_wait3A_45 = tpu.memref_slice %arg4[%mul3A_7] : memref<320160xi32, #tpu.memory_space<hbm>> -> memref<80xi32, #tpu.memory_space<hbm>>
      %dma_wait3A_46 = tpu.memref_slice %arg4[%mul3A_7] : memref<320160xi32, #tpu.memory_space<hbm>> -> memref<80xi32, #tpu.memory_space<hbm>>
      tpu.wait_dma2 semaphore(%run_scoped3A : memref<!tpu.dma_semaphore, #tpu.memory_space<semaphore_mem>>) src(%dma_wait3A_46 : memref<80xi32, #tpu.memory_space<hbm>>) dst(%arg9 : memref<80xi32, #tpu.memory_space<vmem>>)
      tpu.yield
    }) : () -> ()
    %dma_start3A = arith.constant 0 : i32
    %dma_start3A_8 = arith.constant 0 : i32
    %dma_start3A_9 = tpu.memref_slice %arg2[%dma_start3A, %dma_start3A_8] : memref<10000x64xf32, #tpu.memory_space<hbm>> -> memref<10000x64xf32, #tpu.memory_space<hbm>>
    tpu.enqueue_indirect_dma source(%dma_start3A_9 : memref<10000x64xf32, #tpu.memory_space<hbm>>) target(%arg10 : memref<80x64xf32, #tpu.memory_space<vmem>>) offsets(%arg8 : memref<80xi32, #tpu.memory_space<vmem>>) semaphore(%arg14 : memref<!tpu.dma_semaphore, #tpu.memory_space<semaphore_mem>>)
    %add3A_10 = arith.constant 80 : i32
    %add3A_11 = arith.addi %mul3A_7, %add3A_10 : i32
    "tpu.region"() ({
      %run_scoped3A = tpu.sem_alloc : memref<!tpu.dma_semaphore, #tpu.memory_space<semaphore_mem>>
      %dma_start3A_43 = tpu.memref_slice %arg3[%add3A_11] : memref<320160xi32, #tpu.memory_space<hbm>> -> memref<80xi32, #tpu.memory_space<hbm>>
      %dma_start3A_44 = tpu.memref_slice %arg3[%add3A_11] : memref<320160xi32, #tpu.memory_space<hbm>> -> memref<80xi32, #tpu.memory_space<hbm>>
      tpu.enqueue_dma source(%dma_start3A_44 : memref<80xi32, #tpu.memory_space<hbm>>) target(%arg11 : memref<80xi32, #tpu.memory_space<vmem>>) target_semaphore(%run_scoped3A : memref<!tpu.dma_semaphore, #tpu.memory_space<semaphore_mem>>)
      %dma_wait3A_45 = tpu.memref_slice %arg3[%add3A_11] : memref<320160xi32, #tpu.memory_space<hbm>> -> memref<80xi32, #tpu.memory_space<hbm>>
      %dma_wait3A_46 = tpu.memref_slice %arg3[%add3A_11] : memref<320160xi32, #tpu.memory_space<hbm>> -> memref<80xi32, #tpu.memory_space<hbm>>
      tpu.wait_dma2 semaphore(%run_scoped3A : memref<!tpu.dma_semaphore, #tpu.memory_space<semaphore_mem>>) src(%dma_wait3A_46 : memref<80xi32, #tpu.memory_space<hbm>>) dst(%arg11 : memref<80xi32, #tpu.memory_space<vmem>>)
      tpu.yield
    }) : () -> ()
    %add3A_12 = arith.constant 80 : i32
    %add3A_13 = arith.addi %mul3A_7, %add3A_12 : i32
    "tpu.region"() ({
      %run_scoped3A = tpu.sem_alloc : memref<!tpu.dma_semaphore, #tpu.memory_space<semaphore_mem>>
      %dma_start3A_43 = tpu.memref_slice %arg4[%add3A_13] : memref<320160xi32, #tpu.memory_space<hbm>> -> memref<80xi32, #tpu.memory_space<hbm>>
      %dma_start3A_44 = tpu.memref_slice %arg4[%add3A_13] : memref<320160xi32, #tpu.memory_space<hbm>> -> memref<80xi32, #tpu.memory_space<hbm>>
      tpu.enqueue_dma source(%dma_start3A_44 : memref<80xi32, #tpu.memory_space<hbm>>) target(%arg12 : memref<80xi32, #tpu.memory_space<vmem>>) target_semaphore(%run_scoped3A : memref<!tpu.dma_semaphore, #tpu.memory_space<semaphore_mem>>)
      %dma_wait3A_45 = tpu.memref_slice %arg4[%add3A_13] : memref<320160xi32, #tpu.memory_space<hbm>> -> memref<80xi32, #tpu.memory_space<hbm>>
      %dma_wait3A_46 = tpu.memref_slice %arg4[%add3A_13] : memref<320160xi32, #tpu.memory_space<hbm>> -> memref<80xi32, #tpu.memory_space<hbm>>
      tpu.wait_dma2 semaphore(%run_scoped3A : memref<!tpu.dma_semaphore, #tpu.memory_space<semaphore_mem>>) src(%dma_wait3A_46 : memref<80xi32, #tpu.memory_space<hbm>>) dst(%arg12 : memref<80xi32, #tpu.memory_space<vmem>>)
      tpu.yield
    }) : () -> ()
    %dma_start3A_14 = arith.constant 0 : i32
    %dma_start3A_15 = arith.constant 0 : i32
    %dma_start3A_16 = tpu.memref_slice %arg2[%dma_start3A_14, %dma_start3A_15] : memref<10000x64xf32, #tpu.memory_space<hbm>> -> memref<10000x64xf32, #tpu.memory_space<hbm>>
    tpu.enqueue_indirect_dma source(%dma_start3A_16 : memref<10000x64xf32, #tpu.memory_space<hbm>>) target(%arg13 : memref<80x64xf32, #tpu.memory_space<vmem>>) offsets(%arg11 : memref<80xi32, #tpu.memory_space<vmem>>) semaphore(%arg15 : memref<!tpu.dma_semaphore, #tpu.memory_space<semaphore_mem>>)
    %scan3A_17 = arith.constant 0 : i32
    %scan3A_18 = arith.constant 0 : i32
    %scan3A_19 = arith.constant 62 : i32
    %scan3A_20 = arith.addi %scan3A_18, %scan3A_19 : i32
    %scan3A_21 = arith.constant 1 : i32
    scf.for %scan3A_43 = %scan3A_18 to %scan3A_20 step %scan3A_21  : i32 {
      %mul3A_44 = arith.constant 2 : i32
      %mul3A_45 = arith.muli %mul3A_44, %scan3A_43 : i32
      %mul3A_46 = arith.constant 2 : i32
      %mul3A_47 = arith.muli %mul3A_46, %scan3A_43 : i32
      %add3A_48 = arith.constant 1 : i32
      %add3A_49 = arith.addi %mul3A_47, %add3A_48 : i32
      %dma_wait3A_50 = arith.constant 0 : i32
      %dma_wait3A_51 = arith.constant 0 : i32
      %dma_wait3A_52 = tpu.memref_slice %arg2[%dma_wait3A_50, %dma_wait3A_51] : memref<10000x64xf32, #tpu.memory_space<hbm>> -> memref<10000x64xf32, #tpu.memory_space<hbm>>
      tpu.wait_indirect_dma semaphore(%arg14 : memref<!tpu.dma_semaphore, #tpu.memory_space<semaphore_mem>>) src(%dma_wait3A_52 : memref<10000x64xf32, #tpu.memory_space<hbm>>) dst(%arg10 : memref<80x64xf32, #tpu.memory_space<vmem>>)
      "tpu.region"() ({
        %run_scoped3A = tpu.sem_alloc : memref<!tpu.dma_semaphore, #tpu.memory_space<semaphore_mem>>
        %dma_start3A_72 = arith.constant 0 : i32
        %dma_start3A_73 = arith.constant 0 : i32
        %dma_start3A_74 = tpu.memref_slice %arg7[%dma_start3A_72, %dma_start3A_73] : memref<10240x64xf32, #tpu.memory_space<vmem_shared>> -> memref<10240x64xf32, #tpu.memory_space<vmem_shared>>
        tpu.enqueue_indirect_dma source(%arg10 : memref<80x64xf32, #tpu.memory_space<vmem>>) target(%dma_start3A_74 : memref<10240x64xf32, #tpu.memory_space<vmem_shared>>) offsets(%arg9 : memref<80xi32, #tpu.memory_space<vmem>>) semaphore(%run_scoped3A : memref<!tpu.dma_semaphore, #tpu.memory_space<semaphore_mem>>) {add = true}
        %dma_wait3A_75 = arith.constant 0 : i32
        %dma_wait3A_76 = arith.constant 0 : i32
        %dma_wait3A_77 = tpu.memref_slice %arg7[%dma_wait3A_75, %dma_wait3A_76] : memref<10240x64xf32, #tpu.memory_space<vmem_shared>> -> memref<10240x64xf32, #tpu.memory_space<vmem_shared>>
        tpu.wait_indirect_dma semaphore(%run_scoped3A : memref<!tpu.dma_semaphore, #tpu.memory_space<semaphore_mem>>) src(%arg10 : memref<80x64xf32, #tpu.memory_space<vmem>>) dst(%dma_wait3A_77 : memref<10240x64xf32, #tpu.memory_space<vmem_shared>>)
        tpu.yield
      }) : () -> ()
      %add3A_53 = arith.constant 2 : i32
      %add3A_54 = arith.addi %mul3A_45, %add3A_53 : i32
      %mul3A_55 = arith.constant 80 : i32
      %mul3A_56 = arith.muli %add3A_54, %mul3A_55 : i32
      %add3A_57 = arith.addi %mul3A_7, %mul3A_56 : i32
      "tpu.region"() ({
        %run_scoped3A = tpu.sem_alloc : memref<!tpu.dma_semaphore, #tpu.memory_space<semaphore_mem>>
        %dma_start3A_72 = tpu.memref_slice %arg3[%add3A_57] : memref<320160xi32, #tpu.memory_space<hbm>> -> memref<80xi32, #tpu.memory_space<hbm>>
        %dma_start3A_73 = tpu.memref_slice %arg3[%add3A_57] : memref<320160xi32, #tpu.memory_space<hbm>> -> memref<80xi32, #tpu.memory_space<hbm>>
        tpu.enqueue_dma source(%dma_start3A_73 : memref<80xi32, #tpu.memory_space<hbm>>) target(%arg8 : memref<80xi32, #tpu.memory_space<vmem>>) target_semaphore(%run_scoped3A : memref<!tpu.dma_semaphore, #tpu.memory_space<semaphore_mem>>)
        %dma_wait3A_74 = tpu.memref_slice %arg3[%add3A_57] : memref<320160xi32, #tpu.memory_space<hbm>> -> memref<80xi32, #tpu.memory_space<hbm>>
        %dma_wait3A_75 = tpu.memref_slice %arg3[%add3A_57] : memref<320160xi32, #tpu.memory_space<hbm>> -> memref<80xi32, #tpu.memory_space<hbm>>
        tpu.wait_dma2 semaphore(%run_scoped3A : memref<!tpu.dma_semaphore, #tpu.memory_space<semaphore_mem>>) src(%dma_wait3A_75 : memref<80xi32, #tpu.memory_space<hbm>>) dst(%arg8 : memref<80xi32, #tpu.memory_space<vmem>>)
        tpu.yield
      }) : () -> ()
      "tpu.region"() ({
        %run_scoped3A = tpu.sem_alloc : memref<!tpu.dma_semaphore, #tpu.memory_space<semaphore_mem>>
        %dma_start3A_72 = tpu.memref_slice %arg4[%add3A_57] : memref<320160xi32, #tpu.memory_space<hbm>> -> memref<80xi32, #tpu.memory_space<hbm>>
        %dma_start3A_73 = tpu.memref_slice %arg4[%add3A_57] : memref<320160xi32, #tpu.memory_space<hbm>> -> memref<80xi32, #tpu.memory_space<hbm>>
        tpu.enqueue_dma source(%dma_start3A_73 : memref<80xi32, #tpu.memory_space<hbm>>) target(%arg9 : memref<80xi32, #tpu.memory_space<vmem>>) target_semaphore(%run_scoped3A : memref<!tpu.dma_semaphore, #tpu.memory_space<semaphore_mem>>)
        %dma_wait3A_74 = tpu.memref_slice %arg4[%add3A_57] : memref<320160xi32, #tpu.memory_space<hbm>> -> memref<80xi32, #tpu.memory_space<hbm>>
        %dma_wait3A_75 = tpu.memref_slice %arg4[%add3A_57] : memref<320160xi32, #tpu.memory_space<hbm>> -> memref<80xi32, #tpu.memory_space<hbm>>
        tpu.wait_dma2 semaphore(%run_scoped3A : memref<!tpu.dma_semaphore, #tpu.memory_space<semaphore_mem>>) src(%dma_wait3A_75 : memref<80xi32, #tpu.memory_space<hbm>>) dst(%arg9 : memref<80xi32, #tpu.memory_space<vmem>>)
        tpu.yield
      }) : () -> ()
      %dma_start3A_58 = arith.constant 0 : i32
      %dma_start3A_59 = arith.constant 0 : i32
      %dma_start3A_60 = tpu.memref_slice %arg2[%dma_start3A_58, %dma_start3A_59] : memref<10000x64xf32, #tpu.memory_space<hbm>> -> memref<10000x64xf32, #tpu.memory_space<hbm>>
      tpu.enqueue_indirect_dma source(%dma_start3A_60 : memref<10000x64xf32, #tpu.memory_space<hbm>>) target(%arg10 : memref<80x64xf32, #tpu.memory_space<vmem>>) offsets(%arg8 : memref<80xi32, #tpu.memory_space<vmem>>) semaphore(%arg14 : memref<!tpu.dma_semaphore, #tpu.memory_space<semaphore_mem>>)
      %dma_wait3A_61 = arith.constant 0 : i32
      %dma_wait3A_62 = arith.constant 0 : i32
      %dma_wait3A_63 = tpu.memref_slice %arg2[%dma_wait3A_61, %dma_wait3A_62] : memref<10000x64xf32, #tpu.memory_space<hbm>> -> memref<10000x64xf32, #tpu.memory_space<hbm>>
      tpu.wait_indirect_dma semaphore(%arg15 : memref<!tpu.dma_semaphore, #tpu.memory_space<semaphore_mem>>) src(%dma_wait3A_63 : memref<10000x64xf32, #tpu.memory_space<hbm>>) dst(%arg13 : memref<80x64xf32, #tpu.memory_space<vmem>>)
      "tpu.region"() ({
        %run_scoped3A = tpu.sem_alloc : memref<!tpu.dma_semaphore, #tpu.memory_space<semaphore_mem>>
        %dma_start3A_72 = arith.constant 0 : i32
        %dma_start3A_73 = arith.constant 0 : i32
        %dma_start3A_74 = tpu.memref_slice %arg7[%dma_start3A_72, %dma_start3A_73] : memref<10240x64xf32, #tpu.memory_space<vmem_shared>> -> memref<10240x64xf32, #tpu.memory_space<vmem_shared>>
        tpu.enqueue_indirect_dma source(%arg13 : memref<80x64xf32, #tpu.memory_space<vmem>>) target(%dma_start3A_74 : memref<10240x64xf32, #tpu.memory_space<vmem_shared>>) offsets(%arg12 : memref<80xi32, #tpu.memory_space<vmem>>) semaphore(%run_scoped3A : memref<!tpu.dma_semaphore, #tpu.memory_space<semaphore_mem>>) {add = true}
        %dma_wait3A_75 = arith.constant 0 : i32
        %dma_wait3A_76 = arith.constant 0 : i32
        %dma_wait3A_77 = tpu.memref_slice %arg7[%dma_wait3A_75, %dma_wait3A_76] : memref<10240x64xf32, #tpu.memory_space<vmem_shared>> -> memref<10240x64xf32, #tpu.memory_space<vmem_shared>>
        tpu.wait_indirect_dma semaphore(%run_scoped3A : memref<!tpu.dma_semaphore, #tpu.memory_space<semaphore_mem>>) src(%arg13 : memref<80x64xf32, #tpu.memory_space<vmem>>) dst(%dma_wait3A_77 : memref<10240x64xf32, #tpu.memory_space<vmem_shared>>)
        tpu.yield
      }) : () -> ()
      %add3A_64 = arith.constant 2 : i32
      %add3A_65 = arith.addi %add3A_49, %add3A_64 : i32
      %mul3A_66 = arith.constant 80 : i32
      %mul3A_67 = arith.muli %add3A_65, %mul3A_66 : i32
      %add3A_68 = arith.addi %mul3A_7, %mul3A_67 : i32
      "tpu.region"() ({
        %run_scoped3A = tpu.sem_alloc : memref<!tpu.dma_semaphore, #tpu.memory_space<semaphore_mem>>
        %dma_start3A_72 = tpu.memref_slice %arg3[%add3A_68] : memref<320160xi32, #tpu.memory_space<hbm>> -> memref<80xi32, #tpu.memory_space<hbm>>
        %dma_start3A_73 = tpu.memref_slice %arg3[%add3A_68] : memref<320160xi32, #tpu.memory_space<hbm>> -> memref<80xi32, #tpu.memory_space<hbm>>
        tpu.enqueue_dma source(%dma_start3A_73 : memref<80xi32, #tpu.memory_space<hbm>>) target(%arg11 : memref<80xi32, #tpu.memory_space<vmem>>) target_semaphore(%run_scoped3A : memref<!tpu.dma_semaphore, #tpu.memory_space<semaphore_mem>>)
        %dma_wait3A_74 = tpu.memref_slice %arg3[%add3A_68] : memref<320160xi32, #tpu.memory_space<hbm>> -> memref<80xi32, #tpu.memory_space<hbm>>
        %dma_wait3A_75 = tpu.memref_slice %arg3[%add3A_68] : memref<320160xi32, #tpu.memory_space<hbm>> -> memref<80xi32, #tpu.memory_space<hbm>>
        tpu.wait_dma2 semaphore(%run_scoped3A : memref<!tpu.dma_semaphore, #tpu.memory_space<semaphore_mem>>) src(%dma_wait3A_75 : memref<80xi32, #tpu.memory_space<hbm>>) dst(%arg11 : memref<80xi32, #tpu.memory_space<vmem>>)
        tpu.yield
      }) : () -> ()
      "tpu.region"() ({
        %run_scoped3A = tpu.sem_alloc : memref<!tpu.dma_semaphore, #tpu.memory_space<semaphore_mem>>
        %dma_start3A_72 = tpu.memref_slice %arg4[%add3A_68] : memref<320160xi32, #tpu.memory_space<hbm>> -> memref<80xi32, #tpu.memory_space<hbm>>
        %dma_start3A_73 = tpu.memref_slice %arg4[%add3A_68] : memref<320160xi32, #tpu.memory_space<hbm>> -> memref<80xi32, #tpu.memory_space<hbm>>
        tpu.enqueue_dma source(%dma_start3A_73 : memref<80xi32, #tpu.memory_space<hbm>>) target(%arg12 : memref<80xi32, #tpu.memory_space<vmem>>) target_semaphore(%run_scoped3A : memref<!tpu.dma_semaphore, #tpu.memory_space<semaphore_mem>>)
        %dma_wait3A_74 = tpu.memref_slice %arg4[%add3A_68] : memref<320160xi32, #tpu.memory_space<hbm>> -> memref<80xi32, #tpu.memory_space<hbm>>
        %dma_wait3A_75 = tpu.memref_slice %arg4[%add3A_68] : memref<320160xi32, #tpu.memory_space<hbm>> -> memref<80xi32, #tpu.memory_space<hbm>>
        tpu.wait_dma2 semaphore(%run_scoped3A : memref<!tpu.dma_semaphore, #tpu.memory_space<semaphore_mem>>) src(%dma_wait3A_75 : memref<80xi32, #tpu.memory_space<hbm>>) dst(%arg12 : memref<80xi32, #tpu.memory_space<vmem>>)
        tpu.yield
      }) : () -> ()
      %dma_start3A_69 = arith.constant 0 : i32
      %dma_start3A_70 = arith.constant 0 : i32
      %dma_start3A_71 = tpu.memref_slice %arg2[%dma_start3A_69, %dma_start3A_70] : memref<10000x64xf32, #tpu.memory_space<hbm>> -> memref<10000x64xf32, #tpu.memory_space<hbm>>
      tpu.enqueue_indirect_dma source(%dma_start3A_71 : memref<10000x64xf32, #tpu.memory_space<hbm>>) target(%arg13 : memref<80x64xf32, #tpu.memory_space<vmem>>) offsets(%arg11 : memref<80xi32, #tpu.memory_space<vmem>>) semaphore(%arg15 : memref<!tpu.dma_semaphore, #tpu.memory_space<semaphore_mem>>)
    }
    %scan3A_22 = arith.constant 62 : i32
    %dma_wait3A = arith.constant 0 : i32
    %dma_wait3A_23 = arith.constant 0 : i32
    %dma_wait3A_24 = tpu.memref_slice %arg2[%dma_wait3A, %dma_wait3A_23] : memref<10000x64xf32, #tpu.memory_space<hbm>> -> memref<10000x64xf32, #tpu.memory_space<hbm>>
    tpu.wait_indirect_dma semaphore(%arg14 : memref<!tpu.dma_semaphore, #tpu.memory_space<semaphore_mem>>) src(%dma_wait3A_24 : memref<10000x64xf32, #tpu.memory_space<hbm>>) dst(%arg10 : memref<80x64xf32, #tpu.memory_space<vmem>>)
    "tpu.region"() ({
      %run_scoped3A = tpu.sem_alloc : memref<!tpu.dma_semaphore, #tpu.memory_space<semaphore_mem>>
      %dma_start3A_43 = arith.constant 0 : i32
      %dma_start3A_44 = arith.constant 0 : i32
      %dma_start3A_45 = tpu.memref_slice %arg7[%dma_start3A_43, %dma_start3A_44] : memref<10240x64xf32, #tpu.memory_space<vmem_shared>> -> memref<10240x64xf32, #tpu.memory_space<vmem_shared>>
      tpu.enqueue_indirect_dma source(%arg10 : memref<80x64xf32, #tpu.memory_space<vmem>>) target(%dma_start3A_45 : memref<10240x64xf32, #tpu.memory_space<vmem_shared>>) offsets(%arg9 : memref<80xi32, #tpu.memory_space<vmem>>) semaphore(%run_scoped3A : memref<!tpu.dma_semaphore, #tpu.memory_space<semaphore_mem>>) {add = true}
      %dma_wait3A_46 = arith.constant 0 : i32
      %dma_wait3A_47 = arith.constant 0 : i32
      %dma_wait3A_48 = tpu.memref_slice %arg7[%dma_wait3A_46, %dma_wait3A_47] : memref<10240x64xf32, #tpu.memory_space<vmem_shared>> -> memref<10240x64xf32, #tpu.memory_space<vmem_shared>>
      tpu.wait_indirect_dma semaphore(%run_scoped3A : memref<!tpu.dma_semaphore, #tpu.memory_space<semaphore_mem>>) src(%arg10 : memref<80x64xf32, #tpu.memory_space<vmem>>) dst(%dma_wait3A_48 : memref<10240x64xf32, #tpu.memory_space<vmem_shared>>)
      tpu.yield
    }) : () -> ()
    %add3A_25 = arith.constant 10000 : i32
    %add3A_26 = arith.addi %mul3A_7, %add3A_25 : i32
    "tpu.region"() ({
      %run_scoped3A = tpu.sem_alloc : memref<!tpu.dma_semaphore, #tpu.memory_space<semaphore_mem>>
      %dma_start3A_43 = tpu.memref_slice %arg3[%add3A_26] : memref<320160xi32, #tpu.memory_space<hbm>> -> memref<80xi32, #tpu.memory_space<hbm>>
      %dma_start3A_44 = tpu.memref_slice %arg3[%add3A_26] : memref<320160xi32, #tpu.memory_space<hbm>> -> memref<80xi32, #tpu.memory_space<hbm>>
      tpu.enqueue_dma source(%dma_start3A_44 : memref<80xi32, #tpu.memory_space<hbm>>) target(%arg8 : memref<80xi32, #tpu.memory_space<vmem>>) target_semaphore(%run_scoped3A : memref<!tpu.dma_semaphore, #tpu.memory_space<semaphore_mem>>)
      %dma_wait3A_45 = tpu.memref_slice %arg3[%add3A_26] : memref<320160xi32, #tpu.memory_space<hbm>> -> memref<80xi32, #tpu.memory_space<hbm>>
      %dma_wait3A_46 = tpu.memref_slice %arg3[%add3A_26] : memref<320160xi32, #tpu.memory_space<hbm>> -> memref<80xi32, #tpu.memory_space<hbm>>
      tpu.wait_dma2 semaphore(%run_scoped3A : memref<!tpu.dma_semaphore, #tpu.memory_space<semaphore_mem>>) src(%dma_wait3A_46 : memref<80xi32, #tpu.memory_space<hbm>>) dst(%arg8 : memref<80xi32, #tpu.memory_space<vmem>>)
      tpu.yield
    }) : () -> ()
    %dma_start3A_27 = arith.constant 0 : i32
    %dma_start3A_28 = arith.constant 0 : i32
    %dma_start3A_29 = tpu.memref_slice %arg2[%dma_start3A_27, %dma_start3A_28] : memref<10000x64xf32, #tpu.memory_space<hbm>> -> memref<10000x64xf32, #tpu.memory_space<hbm>>
    tpu.enqueue_indirect_dma source(%dma_start3A_29 : memref<10000x64xf32, #tpu.memory_space<hbm>>) target(%arg10 : memref<80x64xf32, #tpu.memory_space<vmem>>) offsets(%arg8 : memref<80xi32, #tpu.memory_space<vmem>>) semaphore(%arg14 : memref<!tpu.dma_semaphore, #tpu.memory_space<semaphore_mem>>)
    %dma_wait3A_30 = arith.constant 0 : i32
    %dma_wait3A_31 = arith.constant 0 : i32
    %dma_wait3A_32 = tpu.memref_slice %arg2[%dma_wait3A_30, %dma_wait3A_31] : memref<10000x64xf32, #tpu.memory_space<hbm>> -> memref<10000x64xf32, #tpu.memory_space<hbm>>
    tpu.wait_indirect_dma semaphore(%arg14 : memref<!tpu.dma_semaphore, #tpu.memory_space<semaphore_mem>>) src(%dma_wait3A_32 : memref<10000x64xf32, #tpu.memory_space<hbm>>) dst(%arg10 : memref<80x64xf32, #tpu.memory_space<vmem>>)
    %dma_wait3A_33 = arith.constant 0 : i32
    %dma_wait3A_34 = arith.constant 0 : i32
    %dma_wait3A_35 = tpu.memref_slice %arg2[%dma_wait3A_33, %dma_wait3A_34] : memref<10000x64xf32, #tpu.memory_space<hbm>> -> memref<10000x64xf32, #tpu.memory_space<hbm>>
    tpu.wait_indirect_dma semaphore(%arg15 : memref<!tpu.dma_semaphore, #tpu.memory_space<semaphore_mem>>) src(%dma_wait3A_35 : memref<10000x64xf32, #tpu.memory_space<hbm>>) dst(%arg13 : memref<80x64xf32, #tpu.memory_space<vmem>>)
    %barrier3A_36 = arith.constant 0 : index
    tpu.barrier barrier_id(%barrier3A_36)
    %scan3A_37 = arith.constant 0 : i32
    %scan3A_38 = arith.constant 0 : i32
    %scan3A_39 = arith.constant 8 : i32
    %scan3A_40 = arith.addi %scan3A_38, %scan3A_39 : i32
    %scan3A_41 = arith.constant 1 : i32
    scf.for %scan3A_43 = %scan3A_38 to %scan3A_40 step %scan3A_41  : i32 {
      %mul3A_44 = arith.constant 640 : i32
      %mul3A_45 = arith.muli %arg1, %mul3A_44 : i32
      %mul3A_46 = arith.constant 80 : i32
      %mul3A_47 = arith.muli %scan3A_43, %mul3A_46 : i32
      %add3A_48 = arith.addi %mul3A_45, %mul3A_47 : i32
      "tpu.region"() ({
        %run_scoped3A = tpu.sem_alloc : memref<!tpu.dma_semaphore, #tpu.memory_space<semaphore_mem>>
        %dma_start3A_49 = arith.constant 0 : i32
        %dma_start3A_50 = tpu.memref_slice %arg7[%add3A_48, %dma_start3A_49] : memref<10240x64xf32, #tpu.memory_space<vmem_shared>> -> memref<80x64xf32, #tpu.memory_space<vmem_shared>>
        %dma_start3A_51 = arith.constant 0 : i32
        %dma_start3A_52 = tpu.memref_slice %arg7[%add3A_48, %dma_start3A_51] : memref<10240x64xf32, #tpu.memory_space<vmem_shared>> -> memref<80x64xf32, #tpu.memory_space<vmem_shared>>
        tpu.enqueue_dma source(%dma_start3A_52 : memref<80x64xf32, #tpu.memory_space<vmem_shared>>) target(%arg10 : memref<80x64xf32, #tpu.memory_space<vmem>>) target_semaphore(%run_scoped3A : memref<!tpu.dma_semaphore, #tpu.memory_space<semaphore_mem>>)
        %dma_wait3A_53 = arith.constant 0 : i32
        %dma_wait3A_54 = tpu.memref_slice %arg7[%add3A_48, %dma_wait3A_53] : memref<10240x64xf32, #tpu.memory_space<vmem_shared>> -> memref<80x64xf32, #tpu.memory_space<vmem_shared>>
        %dma_wait3A_55 = arith.constant 0 : i32
        %dma_wait3A_56 = tpu.memref_slice %arg7[%add3A_48, %dma_wait3A_55] : memref<10240x64xf32, #tpu.memory_space<vmem_shared>> -> memref<80x64xf32, #tpu.memory_space<vmem_shared>>
        tpu.wait_dma2 semaphore(%run_scoped3A : memref<!tpu.dma_semaphore, #tpu.memory_space<semaphore_mem>>) src(%dma_wait3A_56 : memref<80x64xf32, #tpu.memory_space<vmem_shared>>) dst(%arg10 : memref<80x64xf32, #tpu.memory_space<vmem>>)
        tpu.yield
      }) : () -> ()
      "tpu.region"() ({
        %run_scoped3A = tpu.sem_alloc : memref<!tpu.dma_semaphore, #tpu.memory_space<semaphore_mem>>
        %dma_start3A_49 = arith.constant 0 : i32
        %dma_start3A_50 = tpu.memref_slice %arg6[%arg0, %add3A_48, %dma_start3A_49] : memref<2x10240x64xf32, #tpu.memory_space<hbm>> -> memref<1x80x64xf32, #tpu.memory_space<hbm>>
        %dma_start3A_51 = tpu.memref_squeeze %dma_start3A_50 : memref<1x80x64xf32, #tpu.memory_space<hbm>> -> memref<80x64xf32, #tpu.memory_space<hbm>>
        %dma_start3A_52 = arith.constant 0 : i32
        %dma_start3A_53 = tpu.memref_slice %arg6[%arg0, %add3A_48, %dma_start3A_52] : memref<2x10240x64xf32, #tpu.memory_space<hbm>> -> memref<1x80x64xf32, #tpu.memory_space<hbm>>
        %dma_start3A_54 = tpu.memref_squeeze %dma_start3A_53 : memref<1x80x64xf32, #tpu.memory_space<hbm>> -> memref<80x64xf32, #tpu.memory_space<hbm>>
        tpu.enqueue_dma source(%arg10 : memref<80x64xf32, #tpu.memory_space<vmem>>) target(%dma_start3A_54 : memref<80x64xf32, #tpu.memory_space<hbm>>) target_semaphore(%run_scoped3A : memref<!tpu.dma_semaphore, #tpu.memory_space<semaphore_mem>>)
        %dma_wait3A_55 = arith.constant 0 : i32
        %dma_wait3A_56 = tpu.memref_slice %arg6[%arg0, %add3A_48, %dma_wait3A_55] : memref<2x10240x64xf32, #tpu.memory_space<hbm>> -> memref<1x80x64xf32, #tpu.memory_space<hbm>>
        %dma_wait3A_57 = tpu.memref_squeeze %dma_wait3A_56 : memref<1x80x64xf32, #tpu.memory_space<hbm>> -> memref<80x64xf32, #tpu.memory_space<hbm>>
        %dma_wait3A_58 = arith.constant 0 : i32
        %dma_wait3A_59 = tpu.memref_slice %arg6[%arg0, %add3A_48, %dma_wait3A_58] : memref<2x10240x64xf32, #tpu.memory_space<hbm>> -> memref<1x80x64xf32, #tpu.memory_space<hbm>>
        %dma_wait3A_60 = tpu.memref_squeeze %dma_wait3A_59 : memref<1x80x64xf32, #tpu.memory_space<hbm>> -> memref<80x64xf32, #tpu.memory_space<hbm>>
        tpu.wait_dma2 semaphore(%run_scoped3A : memref<!tpu.dma_semaphore, #tpu.memory_space<semaphore_mem>>) src(%arg10 : memref<80x64xf32, #tpu.memory_space<vmem>>) dst(%dma_wait3A_60 : memref<80x64xf32, #tpu.memory_space<hbm>>)
        tpu.yield
      }) : () -> ()
    }
    %scan3A_42 = arith.constant 8 : i32
    return
  }
}

#map = affine_map<(d0, d1) -> (0, 0, 0)>
#map1 = affine_map<(d0, d1) -> (0, 0)>
module attributes {stable_mosaic.version = 14 : i64} {
  func.func @_sc_deg(%arg0: i32, %arg1: i32, %arg2: memref<32x125x80xi32, #tpu.memory_space<hbm>>, %arg3: memref<80x16xf32, #tpu.memory_space<hbm>>, %arg4: memref<80x16xf32, #tpu.memory_space<hbm>>, %arg5: memref<2x10240x16xf32, #tpu.memory_space<hbm>>, %arg6: memref<10240x16xf32, #tpu.memory_space<vmem_shared>>, %arg7: memref<125x80xi32, #tpu.memory_space<vmem>>, %arg8: memref<80x16xf32, #tpu.memory_space<vmem>>, %arg9: memref<80x16xf32, #tpu.memory_space<vmem>>, %arg10: memref<!tpu.dma_semaphore, #tpu.memory_space<semaphore_mem>>) attributes {dimension_semantics = [#tpu.dimension_semantics<core_parallel>, #tpu.dimension_semantics<subcore_parallel>], iteration_bounds = array<i64: 2, 16>, scalar_prefetch = 0 : i64, scratch_operands = 5 : i64, tpu.core_type = #tpu.core_type<sc_vector_subcore>, window_params = [{transform_indices = #map}, {transform_indices = #map1}, {transform_indices = #map1}, {transform_indices = #map}]} {
    %mul3A = arith.constant 16 : i32
    %mul3A_0 = arith.muli %arg0, %mul3A : i32
    %add3A = arith.addi %mul3A_0, %arg1 : i32
    "tpu.region"() ({
      %run_scoped3A = tpu.sem_alloc : memref<!tpu.dma_semaphore, #tpu.memory_space<semaphore_mem>>
      tpu.enqueue_dma source(%arg4 : memref<80x16xf32, #tpu.memory_space<hbm>>) target(%arg9 : memref<80x16xf32, #tpu.memory_space<vmem>>) target_semaphore(%run_scoped3A : memref<!tpu.dma_semaphore, #tpu.memory_space<semaphore_mem>>)
      tpu.wait_dma2 semaphore(%run_scoped3A : memref<!tpu.dma_semaphore, #tpu.memory_space<semaphore_mem>>) src(%arg4 : memref<80x16xf32, #tpu.memory_space<hbm>>) dst(%arg9 : memref<80x16xf32, #tpu.memory_space<vmem>>)
      tpu.yield
    }) : () -> ()
    "tpu.region"() ({
      %run_scoped3A = tpu.sem_alloc : memref<!tpu.dma_semaphore, #tpu.memory_space<semaphore_mem>>
      tpu.enqueue_dma source(%arg3 : memref<80x16xf32, #tpu.memory_space<hbm>>) target(%arg8 : memref<80x16xf32, #tpu.memory_space<vmem>>) target_semaphore(%run_scoped3A : memref<!tpu.dma_semaphore, #tpu.memory_space<semaphore_mem>>)
      tpu.wait_dma2 semaphore(%run_scoped3A : memref<!tpu.dma_semaphore, #tpu.memory_space<semaphore_mem>>) src(%arg3 : memref<80x16xf32, #tpu.memory_space<hbm>>) dst(%arg8 : memref<80x16xf32, #tpu.memory_space<vmem>>)
      tpu.yield
    }) : () -> ()
    %scan3A = arith.constant 0 : i32
    %scan3A_1 = arith.constant 0 : i32
    %scan3A_2 = arith.constant 8 : i32
    %scan3A_3 = arith.addi %scan3A_1, %scan3A_2 : i32
    %scan3A_4 = arith.constant 1 : i32
    scf.for %scan3A_25 = %scan3A_1 to %scan3A_3 step %scan3A_4  : i32 {
      %mul3A_26 = arith.constant 640 : i32
      %mul3A_27 = arith.muli %arg1, %mul3A_26 : i32
      %mul3A_28 = arith.constant 80 : i32
      %mul3A_29 = arith.muli %scan3A_25, %mul3A_28 : i32
      %add3A_30 = arith.addi %mul3A_27, %mul3A_29 : i32
      "tpu.region"() ({
        %run_scoped3A = tpu.sem_alloc : memref<!tpu.dma_semaphore, #tpu.memory_space<semaphore_mem>>
        %dma_start3A = arith.constant 0 : i32
        %dma_start3A_31 = tpu.memref_slice %arg6[%add3A_30, %dma_start3A] : memref<10240x16xf32, #tpu.memory_space<vmem_shared>> -> memref<80x16xf32, #tpu.memory_space<vmem_shared>>
        %dma_start3A_32 = arith.constant 0 : i32
        %dma_start3A_33 = tpu.memref_slice %arg6[%add3A_30, %dma_start3A_32] : memref<10240x16xf32, #tpu.memory_space<vmem_shared>> -> memref<80x16xf32, #tpu.memory_space<vmem_shared>>
        tpu.enqueue_dma source(%arg9 : memref<80x16xf32, #tpu.memory_space<vmem>>) target(%dma_start3A_33 : memref<80x16xf32, #tpu.memory_space<vmem_shared>>) target_semaphore(%run_scoped3A : memref<!tpu.dma_semaphore, #tpu.memory_space<semaphore_mem>>)
        %dma_wait3A = arith.constant 0 : i32
        %dma_wait3A_34 = tpu.memref_slice %arg6[%add3A_30, %dma_wait3A] : memref<10240x16xf32, #tpu.memory_space<vmem_shared>> -> memref<80x16xf32, #tpu.memory_space<vmem_shared>>
        %dma_wait3A_35 = arith.constant 0 : i32
        %dma_wait3A_36 = tpu.memref_slice %arg6[%add3A_30, %dma_wait3A_35] : memref<10240x16xf32, #tpu.memory_space<vmem_shared>> -> memref<80x16xf32, #tpu.memory_space<vmem_shared>>
        tpu.wait_dma2 semaphore(%run_scoped3A : memref<!tpu.dma_semaphore, #tpu.memory_space<semaphore_mem>>) src(%arg9 : memref<80x16xf32, #tpu.memory_space<vmem>>) dst(%dma_wait3A_36 : memref<80x16xf32, #tpu.memory_space<vmem_shared>>)
        tpu.yield
      }) : () -> ()
    }
    %scan3A_5 = arith.constant 8 : i32
    "tpu.region"() ({
      %run_scoped3A = tpu.sem_alloc : memref<!tpu.dma_semaphore, #tpu.memory_space<semaphore_mem>>
      %dma_start3A = arith.constant 0 : i32
      %dma_start3A_25 = arith.constant 0 : i32
      %dma_start3A_26 = tpu.memref_slice %arg2[%add3A, %dma_start3A, %dma_start3A_25] : memref<32x125x80xi32, #tpu.memory_space<hbm>> -> memref<1x125x80xi32, #tpu.memory_space<hbm>>
      %dma_start3A_27 = tpu.memref_squeeze %dma_start3A_26 : memref<1x125x80xi32, #tpu.memory_space<hbm>> -> memref<125x80xi32, #tpu.memory_space<hbm>>
      %dma_start3A_28 = arith.constant 0 : i32
      %dma_start3A_29 = arith.constant 0 : i32
      %dma_start3A_30 = tpu.memref_slice %arg2[%add3A, %dma_start3A_28, %dma_start3A_29] : memref<32x125x80xi32, #tpu.memory_space<hbm>> -> memref<1x125x80xi32, #tpu.memory_space<hbm>>
      %dma_start3A_31 = tpu.memref_squeeze %dma_start3A_30 : memref<1x125x80xi32, #tpu.memory_space<hbm>> -> memref<125x80xi32, #tpu.memory_space<hbm>>
      tpu.enqueue_dma source(%dma_start3A_31 : memref<125x80xi32, #tpu.memory_space<hbm>>) target(%arg7 : memref<125x80xi32, #tpu.memory_space<vmem>>) target_semaphore(%run_scoped3A : memref<!tpu.dma_semaphore, #tpu.memory_space<semaphore_mem>>)
      %dma_wait3A = arith.constant 0 : i32
      %dma_wait3A_32 = arith.constant 0 : i32
      %dma_wait3A_33 = tpu.memref_slice %arg2[%add3A, %dma_wait3A, %dma_wait3A_32] : memref<32x125x80xi32, #tpu.memory_space<hbm>> -> memref<1x125x80xi32, #tpu.memory_space<hbm>>
      %dma_wait3A_34 = tpu.memref_squeeze %dma_wait3A_33 : memref<1x125x80xi32, #tpu.memory_space<hbm>> -> memref<125x80xi32, #tpu.memory_space<hbm>>
      %dma_wait3A_35 = arith.constant 0 : i32
      %dma_wait3A_36 = arith.constant 0 : i32
      %dma_wait3A_37 = tpu.memref_slice %arg2[%add3A, %dma_wait3A_35, %dma_wait3A_36] : memref<32x125x80xi32, #tpu.memory_space<hbm>> -> memref<1x125x80xi32, #tpu.memory_space<hbm>>
      %dma_wait3A_38 = tpu.memref_squeeze %dma_wait3A_37 : memref<1x125x80xi32, #tpu.memory_space<hbm>> -> memref<125x80xi32, #tpu.memory_space<hbm>>
      tpu.wait_dma2 semaphore(%run_scoped3A : memref<!tpu.dma_semaphore, #tpu.memory_space<semaphore_mem>>) src(%dma_wait3A_38 : memref<125x80xi32, #tpu.memory_space<hbm>>) dst(%arg7 : memref<125x80xi32, #tpu.memory_space<vmem>>)
      tpu.yield
    }) : () -> ()
    %barrier3A = arith.constant 0 : index
    tpu.barrier barrier_id(%barrier3A)
    %scan3A_6 = arith.constant 0 : i32
    %scan3A_7 = arith.constant 0 : i32
    %scan3A_8 = arith.constant 125 : i32
    %scan3A_9 = arith.addi %scan3A_7, %scan3A_8 : i32
    %scan3A_10 = arith.constant 1 : i32
    scf.for %scan3A_25 = %scan3A_7 to %scan3A_9 step %scan3A_10  : i32 {
      %dma_start3A = arith.constant 0 : i32
      %dma_start3A_26 = tpu.memref_slice %arg7[%scan3A_25, %dma_start3A] : memref<125x80xi32, #tpu.memory_space<vmem>> -> memref<1x80xi32, #tpu.memory_space<vmem>>
      %dma_start3A_27 = tpu.memref_squeeze %dma_start3A_26 : memref<1x80xi32, #tpu.memory_space<vmem>> -> memref<80xi32, #tpu.memory_space<vmem>>
      %dma_start3A_28 = arith.constant 0 : i32
      %dma_start3A_29 = arith.constant 0 : i32
      %dma_start3A_30 = tpu.memref_slice %arg6[%dma_start3A_28, %dma_start3A_29] : memref<10240x16xf32, #tpu.memory_space<vmem_shared>> -> memref<10240x16xf32, #tpu.memory_space<vmem_shared>>
      tpu.enqueue_indirect_dma source(%arg8 : memref<80x16xf32, #tpu.memory_space<vmem>>) target(%dma_start3A_30 : memref<10240x16xf32, #tpu.memory_space<vmem_shared>>) offsets(%dma_start3A_27 : memref<80xi32, #tpu.memory_space<vmem>>) semaphore(%arg10 : memref<!tpu.dma_semaphore, #tpu.memory_space<semaphore_mem>>) {add = true}
    }
    %scan3A_11 = arith.constant 125 : i32
    %scan3A_12 = arith.constant 0 : i32
    %scan3A_13 = arith.constant 0 : i32
    %scan3A_14 = arith.constant 125 : i32
    %scan3A_15 = arith.addi %scan3A_13, %scan3A_14 : i32
    %scan3A_16 = arith.constant 1 : i32
    scf.for %scan3A_25 = %scan3A_13 to %scan3A_15 step %scan3A_16  : i32 {
      %dma_wait3A = arith.constant 0 : i32
      %dma_wait3A_26 = tpu.memref_slice %arg7[%scan3A_25, %dma_wait3A] : memref<125x80xi32, #tpu.memory_space<vmem>> -> memref<1x80xi32, #tpu.memory_space<vmem>>
      %dma_wait3A_27 = tpu.memref_squeeze %dma_wait3A_26 : memref<1x80xi32, #tpu.memory_space<vmem>> -> memref<80xi32, #tpu.memory_space<vmem>>
      %dma_wait3A_28 = arith.constant 0 : i32
      %dma_wait3A_29 = arith.constant 0 : i32
      %dma_wait3A_30 = tpu.memref_slice %arg6[%dma_wait3A_28, %dma_wait3A_29] : memref<10240x16xf32, #tpu.memory_space<vmem_shared>> -> memref<10240x16xf32, #tpu.memory_space<vmem_shared>>
      tpu.wait_indirect_dma semaphore(%arg10 : memref<!tpu.dma_semaphore, #tpu.memory_space<semaphore_mem>>) src(%arg8 : memref<80x16xf32, #tpu.memory_space<vmem>>) dst(%dma_wait3A_30 : memref<10240x16xf32, #tpu.memory_space<vmem_shared>>)
    }
    %scan3A_17 = arith.constant 125 : i32
    %barrier3A_18 = arith.constant 0 : index
    tpu.barrier barrier_id(%barrier3A_18)
    %scan3A_19 = arith.constant 0 : i32
    %scan3A_20 = arith.constant 0 : i32
    %scan3A_21 = arith.constant 8 : i32
    %scan3A_22 = arith.addi %scan3A_20, %scan3A_21 : i32
    %scan3A_23 = arith.constant 1 : i32
    scf.for %scan3A_25 = %scan3A_20 to %scan3A_22 step %scan3A_23  : i32 {
      %mul3A_26 = arith.constant 640 : i32
      %mul3A_27 = arith.muli %arg1, %mul3A_26 : i32
      %mul3A_28 = arith.constant 80 : i32
      %mul3A_29 = arith.muli %scan3A_25, %mul3A_28 : i32
      %add3A_30 = arith.addi %mul3A_27, %mul3A_29 : i32
      "tpu.region"() ({
        %run_scoped3A = tpu.sem_alloc : memref<!tpu.dma_semaphore, #tpu.memory_space<semaphore_mem>>
        %dma_start3A = arith.constant 0 : i32
        %dma_start3A_31 = tpu.memref_slice %arg6[%add3A_30, %dma_start3A] : memref<10240x16xf32, #tpu.memory_space<vmem_shared>> -> memref<80x16xf32, #tpu.memory_space<vmem_shared>>
        %dma_start3A_32 = arith.constant 0 : i32
        %dma_start3A_33 = tpu.memref_slice %arg6[%add3A_30, %dma_start3A_32] : memref<10240x16xf32, #tpu.memory_space<vmem_shared>> -> memref<80x16xf32, #tpu.memory_space<vmem_shared>>
        tpu.enqueue_dma source(%dma_start3A_33 : memref<80x16xf32, #tpu.memory_space<vmem_shared>>) target(%arg9 : memref<80x16xf32, #tpu.memory_space<vmem>>) target_semaphore(%run_scoped3A : memref<!tpu.dma_semaphore, #tpu.memory_space<semaphore_mem>>)
        %dma_wait3A = arith.constant 0 : i32
        %dma_wait3A_34 = tpu.memref_slice %arg6[%add3A_30, %dma_wait3A] : memref<10240x16xf32, #tpu.memory_space<vmem_shared>> -> memref<80x16xf32, #tpu.memory_space<vmem_shared>>
        %dma_wait3A_35 = arith.constant 0 : i32
        %dma_wait3A_36 = tpu.memref_slice %arg6[%add3A_30, %dma_wait3A_35] : memref<10240x16xf32, #tpu.memory_space<vmem_shared>> -> memref<80x16xf32, #tpu.memory_space<vmem_shared>>
        tpu.wait_dma2 semaphore(%run_scoped3A : memref<!tpu.dma_semaphore, #tpu.memory_space<semaphore_mem>>) src(%dma_wait3A_36 : memref<80x16xf32, #tpu.memory_space<vmem_shared>>) dst(%arg9 : memref<80x16xf32, #tpu.memory_space<vmem>>)
        tpu.yield
      }) : () -> ()
      "tpu.region"() ({
        %run_scoped3A = tpu.sem_alloc : memref<!tpu.dma_semaphore, #tpu.memory_space<semaphore_mem>>
        %dma_start3A = arith.constant 0 : i32
        %dma_start3A_31 = tpu.memref_slice %arg5[%arg0, %add3A_30, %dma_start3A] : memref<2x10240x16xf32, #tpu.memory_space<hbm>> -> memref<1x80x16xf32, #tpu.memory_space<hbm>>
        %dma_start3A_32 = tpu.memref_squeeze %dma_start3A_31 : memref<1x80x16xf32, #tpu.memory_space<hbm>> -> memref<80x16xf32, #tpu.memory_space<hbm>>
        %dma_start3A_33 = arith.constant 0 : i32
        %dma_start3A_34 = tpu.memref_slice %arg5[%arg0, %add3A_30, %dma_start3A_33] : memref<2x10240x16xf32, #tpu.memory_space<hbm>> -> memref<1x80x16xf32, #tpu.memory_space<hbm>>
        %dma_start3A_35 = tpu.memref_squeeze %dma_start3A_34 : memref<1x80x16xf32, #tpu.memory_space<hbm>> -> memref<80x16xf32, #tpu.memory_space<hbm>>
        tpu.enqueue_dma source(%arg9 : memref<80x16xf32, #tpu.memory_space<vmem>>) target(%dma_start3A_35 : memref<80x16xf32, #tpu.memory_space<hbm>>) target_semaphore(%run_scoped3A : memref<!tpu.dma_semaphore, #tpu.memory_space<semaphore_mem>>)
        %dma_wait3A = arith.constant 0 : i32
        %dma_wait3A_36 = tpu.memref_slice %arg5[%arg0, %add3A_30, %dma_wait3A] : memref<2x10240x16xf32, #tpu.memory_space<hbm>> -> memref<1x80x16xf32, #tpu.memory_space<hbm>>
        %dma_wait3A_37 = tpu.memref_squeeze %dma_wait3A_36 : memref<1x80x16xf32, #tpu.memory_space<hbm>> -> memref<80x16xf32, #tpu.memory_space<hbm>>
        %dma_wait3A_38 = arith.constant 0 : i32
        %dma_wait3A_39 = tpu.memref_slice %arg5[%arg0, %add3A_30, %dma_wait3A_38] : memref<2x10240x16xf32, #tpu.memory_space<hbm>> -> memref<1x80x16xf32, #tpu.memory_space<hbm>>
        %dma_wait3A_40 = tpu.memref_squeeze %dma_wait3A_39 : memref<1x80x16xf32, #tpu.memory_space<hbm>> -> memref<80x16xf32, #tpu.memory_space<hbm>>
        tpu.wait_dma2 semaphore(%run_scoped3A : memref<!tpu.dma_semaphore, #tpu.memory_space<semaphore_mem>>) src(%arg9 : memref<80x16xf32, #tpu.memory_space<vmem>>) dst(%dma_wait3A_40 : memref<80x16xf32, #tpu.memory_space<hbm>>)
        tpu.yield
      }) : () -> ()
    }
    %scan3A_24 = arith.constant 8 : i32
    return
  }
}

#map = affine_map<(d0, d1) -> (0, 0)>
#map1 = affine_map<(d0, d1) -> (0)>
#map2 = affine_map<(d0, d1) -> (0, 0, 0)>
module attributes {stable_mosaic.version = 14 : i64} {
  func.func @agg(%arg0: i32, %arg1: i32, %arg2: memref<10000x128xf32, #tpu.memory_space<hbm>>, %arg3: memref<320160xi32, #tpu.memory_space<hbm>>, %arg4: memref<320160xi32, #tpu.memory_space<hbm>>, %arg5: memref<80x128xf32, #tpu.memory_space<hbm>>, %arg6: memref<2x10240x128xf32, #tpu.memory_space<hbm>>, %arg7: memref<10240x128xf32, #tpu.memory_space<vmem_shared>>, %arg8: memref<80xi32, #tpu.memory_space<vmem>>, %arg9: memref<80xi32, #tpu.memory_space<vmem>>, %arg10: memref<80x128xf32, #tpu.memory_space<vmem>>, %arg11: memref<80xi32, #tpu.memory_space<vmem>>, %arg12: memref<80xi32, #tpu.memory_space<vmem>>, %arg13: memref<80x128xf32, #tpu.memory_space<vmem>>, %arg14: memref<!tpu.dma_semaphore, #tpu.memory_space<semaphore_mem>>, %arg15: memref<!tpu.dma_semaphore, #tpu.memory_space<semaphore_mem>>) attributes {dimension_semantics = [#tpu.dimension_semantics<core_parallel>, #tpu.dimension_semantics<subcore_parallel>], iteration_bounds = array<i64: 2, 16>, scalar_prefetch = 0 : i64, scratch_operands = 9 : i64, tpu.core_type = #tpu.core_type<sc_vector_subcore>, window_params = [{transform_indices = #map}, {transform_indices = #map1}, {transform_indices = #map1}, {transform_indices = #map}, {transform_indices = #map2}]} {
    %mul3A = arith.constant 16 : i32
    %mul3A_0 = arith.muli %arg0, %mul3A : i32
    %add3A = arith.addi %mul3A_0, %arg1 : i32
    "tpu.region"() ({
      %run_scoped3A = tpu.sem_alloc : memref<!tpu.dma_semaphore, #tpu.memory_space<semaphore_mem>>
      tpu.enqueue_dma source(%arg5 : memref<80x128xf32, #tpu.memory_space<hbm>>) target(%arg10 : memref<80x128xf32, #tpu.memory_space<vmem>>) target_semaphore(%run_scoped3A : memref<!tpu.dma_semaphore, #tpu.memory_space<semaphore_mem>>)
      tpu.wait_dma2 semaphore(%run_scoped3A : memref<!tpu.dma_semaphore, #tpu.memory_space<semaphore_mem>>) src(%arg5 : memref<80x128xf32, #tpu.memory_space<hbm>>) dst(%arg10 : memref<80x128xf32, #tpu.memory_space<vmem>>)
      tpu.yield
    }) : () -> ()
    %scan3A = arith.constant 0 : i32
    %scan3A_1 = arith.constant 0 : i32
    %scan3A_2 = arith.constant 8 : i32
    %scan3A_3 = arith.addi %scan3A_1, %scan3A_2 : i32
    %scan3A_4 = arith.constant 1 : i32
    scf.for %scan3A_43 = %scan3A_1 to %scan3A_3 step %scan3A_4  : i32 {
      %mul3A_44 = arith.constant 640 : i32
      %mul3A_45 = arith.muli %arg1, %mul3A_44 : i32
      %mul3A_46 = arith.constant 80 : i32
      %mul3A_47 = arith.muli %scan3A_43, %mul3A_46 : i32
      %add3A_48 = arith.addi %mul3A_45, %mul3A_47 : i32
      "tpu.region"() ({
        %run_scoped3A = tpu.sem_alloc : memref<!tpu.dma_semaphore, #tpu.memory_space<semaphore_mem>>
        %dma_start3A_49 = arith.constant 0 : i32
        %dma_start3A_50 = tpu.memref_slice %arg7[%add3A_48, %dma_start3A_49] : memref<10240x128xf32, #tpu.memory_space<vmem_shared>> -> memref<80x128xf32, #tpu.memory_space<vmem_shared>>
        %dma_start3A_51 = arith.constant 0 : i32
        %dma_start3A_52 = tpu.memref_slice %arg7[%add3A_48, %dma_start3A_51] : memref<10240x128xf32, #tpu.memory_space<vmem_shared>> -> memref<80x128xf32, #tpu.memory_space<vmem_shared>>
        tpu.enqueue_dma source(%arg10 : memref<80x128xf32, #tpu.memory_space<vmem>>) target(%dma_start3A_52 : memref<80x128xf32, #tpu.memory_space<vmem_shared>>) target_semaphore(%run_scoped3A : memref<!tpu.dma_semaphore, #tpu.memory_space<semaphore_mem>>)
        %dma_wait3A_53 = arith.constant 0 : i32
        %dma_wait3A_54 = tpu.memref_slice %arg7[%add3A_48, %dma_wait3A_53] : memref<10240x128xf32, #tpu.memory_space<vmem_shared>> -> memref<80x128xf32, #tpu.memory_space<vmem_shared>>
        %dma_wait3A_55 = arith.constant 0 : i32
        %dma_wait3A_56 = tpu.memref_slice %arg7[%add3A_48, %dma_wait3A_55] : memref<10240x128xf32, #tpu.memory_space<vmem_shared>> -> memref<80x128xf32, #tpu.memory_space<vmem_shared>>
        tpu.wait_dma2 semaphore(%run_scoped3A : memref<!tpu.dma_semaphore, #tpu.memory_space<semaphore_mem>>) src(%arg10 : memref<80x128xf32, #tpu.memory_space<vmem>>) dst(%dma_wait3A_56 : memref<80x128xf32, #tpu.memory_space<vmem_shared>>)
        tpu.yield
      }) : () -> ()
    }
    %scan3A_5 = arith.constant 8 : i32
    %barrier3A = arith.constant 0 : index
    tpu.barrier barrier_id(%barrier3A)
    %mul3A_6 = arith.constant 10000 : i32
    %mul3A_7 = arith.muli %add3A, %mul3A_6 : i32
    "tpu.region"() ({
      %run_scoped3A = tpu.sem_alloc : memref<!tpu.dma_semaphore, #tpu.memory_space<semaphore_mem>>
      %dma_start3A_43 = tpu.memref_slice %arg3[%mul3A_7] : memref<320160xi32, #tpu.memory_space<hbm>> -> memref<80xi32, #tpu.memory_space<hbm>>
      %dma_start3A_44 = tpu.memref_slice %arg3[%mul3A_7] : memref<320160xi32, #tpu.memory_space<hbm>> -> memref<80xi32, #tpu.memory_space<hbm>>
      tpu.enqueue_dma source(%dma_start3A_44 : memref<80xi32, #tpu.memory_space<hbm>>) target(%arg8 : memref<80xi32, #tpu.memory_space<vmem>>) target_semaphore(%run_scoped3A : memref<!tpu.dma_semaphore, #tpu.memory_space<semaphore_mem>>)
      %dma_wait3A_45 = tpu.memref_slice %arg3[%mul3A_7] : memref<320160xi32, #tpu.memory_space<hbm>> -> memref<80xi32, #tpu.memory_space<hbm>>
      %dma_wait3A_46 = tpu.memref_slice %arg3[%mul3A_7] : memref<320160xi32, #tpu.memory_space<hbm>> -> memref<80xi32, #tpu.memory_space<hbm>>
      tpu.wait_dma2 semaphore(%run_scoped3A : memref<!tpu.dma_semaphore, #tpu.memory_space<semaphore_mem>>) src(%dma_wait3A_46 : memref<80xi32, #tpu.memory_space<hbm>>) dst(%arg8 : memref<80xi32, #tpu.memory_space<vmem>>)
      tpu.yield
    }) : () -> ()
    "tpu.region"() ({
      %run_scoped3A = tpu.sem_alloc : memref<!tpu.dma_semaphore, #tpu.memory_space<semaphore_mem>>
      %dma_start3A_43 = tpu.memref_slice %arg4[%mul3A_7] : memref<320160xi32, #tpu.memory_space<hbm>> -> memref<80xi32, #tpu.memory_space<hbm>>
      %dma_start3A_44 = tpu.memref_slice %arg4[%mul3A_7] : memref<320160xi32, #tpu.memory_space<hbm>> -> memref<80xi32, #tpu.memory_space<hbm>>
      tpu.enqueue_dma source(%dma_start3A_44 : memref<80xi32, #tpu.memory_space<hbm>>) target(%arg9 : memref<80xi32, #tpu.memory_space<vmem>>) target_semaphore(%run_scoped3A : memref<!tpu.dma_semaphore, #tpu.memory_space<semaphore_mem>>)
      %dma_wait3A_45 = tpu.memref_slice %arg4[%mul3A_7] : memref<320160xi32, #tpu.memory_space<hbm>> -> memref<80xi32, #tpu.memory_space<hbm>>
      %dma_wait3A_46 = tpu.memref_slice %arg4[%mul3A_7] : memref<320160xi32, #tpu.memory_space<hbm>> -> memref<80xi32, #tpu.memory_space<hbm>>
      tpu.wait_dma2 semaphore(%run_scoped3A : memref<!tpu.dma_semaphore, #tpu.memory_space<semaphore_mem>>) src(%dma_wait3A_46 : memref<80xi32, #tpu.memory_space<hbm>>) dst(%arg9 : memref<80xi32, #tpu.memory_space<vmem>>)
      tpu.yield
    }) : () -> ()
    %dma_start3A = arith.constant 0 : i32
    %dma_start3A_8 = arith.constant 0 : i32
    %dma_start3A_9 = tpu.memref_slice %arg2[%dma_start3A, %dma_start3A_8] : memref<10000x128xf32, #tpu.memory_space<hbm>> -> memref<10000x128xf32, #tpu.memory_space<hbm>>
    tpu.enqueue_indirect_dma source(%dma_start3A_9 : memref<10000x128xf32, #tpu.memory_space<hbm>>) target(%arg10 : memref<80x128xf32, #tpu.memory_space<vmem>>) offsets(%arg8 : memref<80xi32, #tpu.memory_space<vmem>>) semaphore(%arg14 : memref<!tpu.dma_semaphore, #tpu.memory_space<semaphore_mem>>)
    %add3A_10 = arith.constant 80 : i32
    %add3A_11 = arith.addi %mul3A_7, %add3A_10 : i32
    "tpu.region"() ({
      %run_scoped3A = tpu.sem_alloc : memref<!tpu.dma_semaphore, #tpu.memory_space<semaphore_mem>>
      %dma_start3A_43 = tpu.memref_slice %arg3[%add3A_11] : memref<320160xi32, #tpu.memory_space<hbm>> -> memref<80xi32, #tpu.memory_space<hbm>>
      %dma_start3A_44 = tpu.memref_slice %arg3[%add3A_11] : memref<320160xi32, #tpu.memory_space<hbm>> -> memref<80xi32, #tpu.memory_space<hbm>>
      tpu.enqueue_dma source(%dma_start3A_44 : memref<80xi32, #tpu.memory_space<hbm>>) target(%arg11 : memref<80xi32, #tpu.memory_space<vmem>>) target_semaphore(%run_scoped3A : memref<!tpu.dma_semaphore, #tpu.memory_space<semaphore_mem>>)
      %dma_wait3A_45 = tpu.memref_slice %arg3[%add3A_11] : memref<320160xi32, #tpu.memory_space<hbm>> -> memref<80xi32, #tpu.memory_space<hbm>>
      %dma_wait3A_46 = tpu.memref_slice %arg3[%add3A_11] : memref<320160xi32, #tpu.memory_space<hbm>> -> memref<80xi32, #tpu.memory_space<hbm>>
      tpu.wait_dma2 semaphore(%run_scoped3A : memref<!tpu.dma_semaphore, #tpu.memory_space<semaphore_mem>>) src(%dma_wait3A_46 : memref<80xi32, #tpu.memory_space<hbm>>) dst(%arg11 : memref<80xi32, #tpu.memory_space<vmem>>)
      tpu.yield
    }) : () -> ()
    %add3A_12 = arith.constant 80 : i32
    %add3A_13 = arith.addi %mul3A_7, %add3A_12 : i32
    "tpu.region"() ({
      %run_scoped3A = tpu.sem_alloc : memref<!tpu.dma_semaphore, #tpu.memory_space<semaphore_mem>>
      %dma_start3A_43 = tpu.memref_slice %arg4[%add3A_13] : memref<320160xi32, #tpu.memory_space<hbm>> -> memref<80xi32, #tpu.memory_space<hbm>>
      %dma_start3A_44 = tpu.memref_slice %arg4[%add3A_13] : memref<320160xi32, #tpu.memory_space<hbm>> -> memref<80xi32, #tpu.memory_space<hbm>>
      tpu.enqueue_dma source(%dma_start3A_44 : memref<80xi32, #tpu.memory_space<hbm>>) target(%arg12 : memref<80xi32, #tpu.memory_space<vmem>>) target_semaphore(%run_scoped3A : memref<!tpu.dma_semaphore, #tpu.memory_space<semaphore_mem>>)
      %dma_wait3A_45 = tpu.memref_slice %arg4[%add3A_13] : memref<320160xi32, #tpu.memory_space<hbm>> -> memref<80xi32, #tpu.memory_space<hbm>>
      %dma_wait3A_46 = tpu.memref_slice %arg4[%add3A_13] : memref<320160xi32, #tpu.memory_space<hbm>> -> memref<80xi32, #tpu.memory_space<hbm>>
      tpu.wait_dma2 semaphore(%run_scoped3A : memref<!tpu.dma_semaphore, #tpu.memory_space<semaphore_mem>>) src(%dma_wait3A_46 : memref<80xi32, #tpu.memory_space<hbm>>) dst(%arg12 : memref<80xi32, #tpu.memory_space<vmem>>)
      tpu.yield
    }) : () -> ()
    %dma_start3A_14 = arith.constant 0 : i32
    %dma_start3A_15 = arith.constant 0 : i32
    %dma_start3A_16 = tpu.memref_slice %arg2[%dma_start3A_14, %dma_start3A_15] : memref<10000x128xf32, #tpu.memory_space<hbm>> -> memref<10000x128xf32, #tpu.memory_space<hbm>>
    tpu.enqueue_indirect_dma source(%dma_start3A_16 : memref<10000x128xf32, #tpu.memory_space<hbm>>) target(%arg13 : memref<80x128xf32, #tpu.memory_space<vmem>>) offsets(%arg11 : memref<80xi32, #tpu.memory_space<vmem>>) semaphore(%arg15 : memref<!tpu.dma_semaphore, #tpu.memory_space<semaphore_mem>>)
    %scan3A_17 = arith.constant 0 : i32
    %scan3A_18 = arith.constant 0 : i32
    %scan3A_19 = arith.constant 62 : i32
    %scan3A_20 = arith.addi %scan3A_18, %scan3A_19 : i32
    %scan3A_21 = arith.constant 1 : i32
    scf.for %scan3A_43 = %scan3A_18 to %scan3A_20 step %scan3A_21  : i32 {
      %mul3A_44 = arith.constant 2 : i32
      %mul3A_45 = arith.muli %mul3A_44, %scan3A_43 : i32
      %mul3A_46 = arith.constant 2 : i32
      %mul3A_47 = arith.muli %mul3A_46, %scan3A_43 : i32
      %add3A_48 = arith.constant 1 : i32
      %add3A_49 = arith.addi %mul3A_47, %add3A_48 : i32
      %dma_wait3A_50 = arith.constant 0 : i32
      %dma_wait3A_51 = arith.constant 0 : i32
      %dma_wait3A_52 = tpu.memref_slice %arg2[%dma_wait3A_50, %dma_wait3A_51] : memref<10000x128xf32, #tpu.memory_space<hbm>> -> memref<10000x128xf32, #tpu.memory_space<hbm>>
      tpu.wait_indirect_dma semaphore(%arg14 : memref<!tpu.dma_semaphore, #tpu.memory_space<semaphore_mem>>) src(%dma_wait3A_52 : memref<10000x128xf32, #tpu.memory_space<hbm>>) dst(%arg10 : memref<80x128xf32, #tpu.memory_space<vmem>>)
      "tpu.region"() ({
        %run_scoped3A = tpu.sem_alloc : memref<!tpu.dma_semaphore, #tpu.memory_space<semaphore_mem>>
        %dma_start3A_72 = arith.constant 0 : i32
        %dma_start3A_73 = arith.constant 0 : i32
        %dma_start3A_74 = tpu.memref_slice %arg7[%dma_start3A_72, %dma_start3A_73] : memref<10240x128xf32, #tpu.memory_space<vmem_shared>> -> memref<10240x128xf32, #tpu.memory_space<vmem_shared>>
        tpu.enqueue_indirect_dma source(%arg10 : memref<80x128xf32, #tpu.memory_space<vmem>>) target(%dma_start3A_74 : memref<10240x128xf32, #tpu.memory_space<vmem_shared>>) offsets(%arg9 : memref<80xi32, #tpu.memory_space<vmem>>) semaphore(%run_scoped3A : memref<!tpu.dma_semaphore, #tpu.memory_space<semaphore_mem>>) {add = true}
        %dma_wait3A_75 = arith.constant 0 : i32
        %dma_wait3A_76 = arith.constant 0 : i32
        %dma_wait3A_77 = tpu.memref_slice %arg7[%dma_wait3A_75, %dma_wait3A_76] : memref<10240x128xf32, #tpu.memory_space<vmem_shared>> -> memref<10240x128xf32, #tpu.memory_space<vmem_shared>>
        tpu.wait_indirect_dma semaphore(%run_scoped3A : memref<!tpu.dma_semaphore, #tpu.memory_space<semaphore_mem>>) src(%arg10 : memref<80x128xf32, #tpu.memory_space<vmem>>) dst(%dma_wait3A_77 : memref<10240x128xf32, #tpu.memory_space<vmem_shared>>)
        tpu.yield
      }) : () -> ()
      %add3A_53 = arith.constant 2 : i32
      %add3A_54 = arith.addi %mul3A_45, %add3A_53 : i32
      %mul3A_55 = arith.constant 80 : i32
      %mul3A_56 = arith.muli %add3A_54, %mul3A_55 : i32
      %add3A_57 = arith.addi %mul3A_7, %mul3A_56 : i32
      "tpu.region"() ({
        %run_scoped3A = tpu.sem_alloc : memref<!tpu.dma_semaphore, #tpu.memory_space<semaphore_mem>>
        %dma_start3A_72 = tpu.memref_slice %arg3[%add3A_57] : memref<320160xi32, #tpu.memory_space<hbm>> -> memref<80xi32, #tpu.memory_space<hbm>>
        %dma_start3A_73 = tpu.memref_slice %arg3[%add3A_57] : memref<320160xi32, #tpu.memory_space<hbm>> -> memref<80xi32, #tpu.memory_space<hbm>>
        tpu.enqueue_dma source(%dma_start3A_73 : memref<80xi32, #tpu.memory_space<hbm>>) target(%arg8 : memref<80xi32, #tpu.memory_space<vmem>>) target_semaphore(%run_scoped3A : memref<!tpu.dma_semaphore, #tpu.memory_space<semaphore_mem>>)
        %dma_wait3A_74 = tpu.memref_slice %arg3[%add3A_57] : memref<320160xi32, #tpu.memory_space<hbm>> -> memref<80xi32, #tpu.memory_space<hbm>>
        %dma_wait3A_75 = tpu.memref_slice %arg3[%add3A_57] : memref<320160xi32, #tpu.memory_space<hbm>> -> memref<80xi32, #tpu.memory_space<hbm>>
        tpu.wait_dma2 semaphore(%run_scoped3A : memref<!tpu.dma_semaphore, #tpu.memory_space<semaphore_mem>>) src(%dma_wait3A_75 : memref<80xi32, #tpu.memory_space<hbm>>) dst(%arg8 : memref<80xi32, #tpu.memory_space<vmem>>)
        tpu.yield
      }) : () -> ()
      "tpu.region"() ({
        %run_scoped3A = tpu.sem_alloc : memref<!tpu.dma_semaphore, #tpu.memory_space<semaphore_mem>>
        %dma_start3A_72 = tpu.memref_slice %arg4[%add3A_57] : memref<320160xi32, #tpu.memory_space<hbm>> -> memref<80xi32, #tpu.memory_space<hbm>>
        %dma_start3A_73 = tpu.memref_slice %arg4[%add3A_57] : memref<320160xi32, #tpu.memory_space<hbm>> -> memref<80xi32, #tpu.memory_space<hbm>>
        tpu.enqueue_dma source(%dma_start3A_73 : memref<80xi32, #tpu.memory_space<hbm>>) target(%arg9 : memref<80xi32, #tpu.memory_space<vmem>>) target_semaphore(%run_scoped3A : memref<!tpu.dma_semaphore, #tpu.memory_space<semaphore_mem>>)
        %dma_wait3A_74 = tpu.memref_slice %arg4[%add3A_57] : memref<320160xi32, #tpu.memory_space<hbm>> -> memref<80xi32, #tpu.memory_space<hbm>>
        %dma_wait3A_75 = tpu.memref_slice %arg4[%add3A_57] : memref<320160xi32, #tpu.memory_space<hbm>> -> memref<80xi32, #tpu.memory_space<hbm>>
        tpu.wait_dma2 semaphore(%run_scoped3A : memref<!tpu.dma_semaphore, #tpu.memory_space<semaphore_mem>>) src(%dma_wait3A_75 : memref<80xi32, #tpu.memory_space<hbm>>) dst(%arg9 : memref<80xi32, #tpu.memory_space<vmem>>)
        tpu.yield
      }) : () -> ()
      %dma_start3A_58 = arith.constant 0 : i32
      %dma_start3A_59 = arith.constant 0 : i32
      %dma_start3A_60 = tpu.memref_slice %arg2[%dma_start3A_58, %dma_start3A_59] : memref<10000x128xf32, #tpu.memory_space<hbm>> -> memref<10000x128xf32, #tpu.memory_space<hbm>>
      tpu.enqueue_indirect_dma source(%dma_start3A_60 : memref<10000x128xf32, #tpu.memory_space<hbm>>) target(%arg10 : memref<80x128xf32, #tpu.memory_space<vmem>>) offsets(%arg8 : memref<80xi32, #tpu.memory_space<vmem>>) semaphore(%arg14 : memref<!tpu.dma_semaphore, #tpu.memory_space<semaphore_mem>>)
      %dma_wait3A_61 = arith.constant 0 : i32
      %dma_wait3A_62 = arith.constant 0 : i32
      %dma_wait3A_63 = tpu.memref_slice %arg2[%dma_wait3A_61, %dma_wait3A_62] : memref<10000x128xf32, #tpu.memory_space<hbm>> -> memref<10000x128xf32, #tpu.memory_space<hbm>>
      tpu.wait_indirect_dma semaphore(%arg15 : memref<!tpu.dma_semaphore, #tpu.memory_space<semaphore_mem>>) src(%dma_wait3A_63 : memref<10000x128xf32, #tpu.memory_space<hbm>>) dst(%arg13 : memref<80x128xf32, #tpu.memory_space<vmem>>)
      "tpu.region"() ({
        %run_scoped3A = tpu.sem_alloc : memref<!tpu.dma_semaphore, #tpu.memory_space<semaphore_mem>>
        %dma_start3A_72 = arith.constant 0 : i32
        %dma_start3A_73 = arith.constant 0 : i32
        %dma_start3A_74 = tpu.memref_slice %arg7[%dma_start3A_72, %dma_start3A_73] : memref<10240x128xf32, #tpu.memory_space<vmem_shared>> -> memref<10240x128xf32, #tpu.memory_space<vmem_shared>>
        tpu.enqueue_indirect_dma source(%arg13 : memref<80x128xf32, #tpu.memory_space<vmem>>) target(%dma_start3A_74 : memref<10240x128xf32, #tpu.memory_space<vmem_shared>>) offsets(%arg12 : memref<80xi32, #tpu.memory_space<vmem>>) semaphore(%run_scoped3A : memref<!tpu.dma_semaphore, #tpu.memory_space<semaphore_mem>>) {add = true}
        %dma_wait3A_75 = arith.constant 0 : i32
        %dma_wait3A_76 = arith.constant 0 : i32
        %dma_wait3A_77 = tpu.memref_slice %arg7[%dma_wait3A_75, %dma_wait3A_76] : memref<10240x128xf32, #tpu.memory_space<vmem_shared>> -> memref<10240x128xf32, #tpu.memory_space<vmem_shared>>
        tpu.wait_indirect_dma semaphore(%run_scoped3A : memref<!tpu.dma_semaphore, #tpu.memory_space<semaphore_mem>>) src(%arg13 : memref<80x128xf32, #tpu.memory_space<vmem>>) dst(%dma_wait3A_77 : memref<10240x128xf32, #tpu.memory_space<vmem_shared>>)
        tpu.yield
      }) : () -> ()
      %add3A_64 = arith.constant 2 : i32
      %add3A_65 = arith.addi %add3A_49, %add3A_64 : i32
      %mul3A_66 = arith.constant 80 : i32
      %mul3A_67 = arith.muli %add3A_65, %mul3A_66 : i32
      %add3A_68 = arith.addi %mul3A_7, %mul3A_67 : i32
      "tpu.region"() ({
        %run_scoped3A = tpu.sem_alloc : memref<!tpu.dma_semaphore, #tpu.memory_space<semaphore_mem>>
        %dma_start3A_72 = tpu.memref_slice %arg3[%add3A_68] : memref<320160xi32, #tpu.memory_space<hbm>> -> memref<80xi32, #tpu.memory_space<hbm>>
        %dma_start3A_73 = tpu.memref_slice %arg3[%add3A_68] : memref<320160xi32, #tpu.memory_space<hbm>> -> memref<80xi32, #tpu.memory_space<hbm>>
        tpu.enqueue_dma source(%dma_start3A_73 : memref<80xi32, #tpu.memory_space<hbm>>) target(%arg11 : memref<80xi32, #tpu.memory_space<vmem>>) target_semaphore(%run_scoped3A : memref<!tpu.dma_semaphore, #tpu.memory_space<semaphore_mem>>)
        %dma_wait3A_74 = tpu.memref_slice %arg3[%add3A_68] : memref<320160xi32, #tpu.memory_space<hbm>> -> memref<80xi32, #tpu.memory_space<hbm>>
        %dma_wait3A_75 = tpu.memref_slice %arg3[%add3A_68] : memref<320160xi32, #tpu.memory_space<hbm>> -> memref<80xi32, #tpu.memory_space<hbm>>
        tpu.wait_dma2 semaphore(%run_scoped3A : memref<!tpu.dma_semaphore, #tpu.memory_space<semaphore_mem>>) src(%dma_wait3A_75 : memref<80xi32, #tpu.memory_space<hbm>>) dst(%arg11 : memref<80xi32, #tpu.memory_space<vmem>>)
        tpu.yield
      }) : () -> ()
      "tpu.region"() ({
        %run_scoped3A = tpu.sem_alloc : memref<!tpu.dma_semaphore, #tpu.memory_space<semaphore_mem>>
        %dma_start3A_72 = tpu.memref_slice %arg4[%add3A_68] : memref<320160xi32, #tpu.memory_space<hbm>> -> memref<80xi32, #tpu.memory_space<hbm>>
        %dma_start3A_73 = tpu.memref_slice %arg4[%add3A_68] : memref<320160xi32, #tpu.memory_space<hbm>> -> memref<80xi32, #tpu.memory_space<hbm>>
        tpu.enqueue_dma source(%dma_start3A_73 : memref<80xi32, #tpu.memory_space<hbm>>) target(%arg12 : memref<80xi32, #tpu.memory_space<vmem>>) target_semaphore(%run_scoped3A : memref<!tpu.dma_semaphore, #tpu.memory_space<semaphore_mem>>)
        %dma_wait3A_74 = tpu.memref_slice %arg4[%add3A_68] : memref<320160xi32, #tpu.memory_space<hbm>> -> memref<80xi32, #tpu.memory_space<hbm>>
        %dma_wait3A_75 = tpu.memref_slice %arg4[%add3A_68] : memref<320160xi32, #tpu.memory_space<hbm>> -> memref<80xi32, #tpu.memory_space<hbm>>
        tpu.wait_dma2 semaphore(%run_scoped3A : memref<!tpu.dma_semaphore, #tpu.memory_space<semaphore_mem>>) src(%dma_wait3A_75 : memref<80xi32, #tpu.memory_space<hbm>>) dst(%arg12 : memref<80xi32, #tpu.memory_space<vmem>>)
        tpu.yield
      }) : () -> ()
      %dma_start3A_69 = arith.constant 0 : i32
      %dma_start3A_70 = arith.constant 0 : i32
      %dma_start3A_71 = tpu.memref_slice %arg2[%dma_start3A_69, %dma_start3A_70] : memref<10000x128xf32, #tpu.memory_space<hbm>> -> memref<10000x128xf32, #tpu.memory_space<hbm>>
      tpu.enqueue_indirect_dma source(%dma_start3A_71 : memref<10000x128xf32, #tpu.memory_space<hbm>>) target(%arg13 : memref<80x128xf32, #tpu.memory_space<vmem>>) offsets(%arg11 : memref<80xi32, #tpu.memory_space<vmem>>) semaphore(%arg15 : memref<!tpu.dma_semaphore, #tpu.memory_space<semaphore_mem>>)
    }
    %scan3A_22 = arith.constant 62 : i32
    %dma_wait3A = arith.constant 0 : i32
    %dma_wait3A_23 = arith.constant 0 : i32
    %dma_wait3A_24 = tpu.memref_slice %arg2[%dma_wait3A, %dma_wait3A_23] : memref<10000x128xf32, #tpu.memory_space<hbm>> -> memref<10000x128xf32, #tpu.memory_space<hbm>>
    tpu.wait_indirect_dma semaphore(%arg14 : memref<!tpu.dma_semaphore, #tpu.memory_space<semaphore_mem>>) src(%dma_wait3A_24 : memref<10000x128xf32, #tpu.memory_space<hbm>>) dst(%arg10 : memref<80x128xf32, #tpu.memory_space<vmem>>)
    "tpu.region"() ({
      %run_scoped3A = tpu.sem_alloc : memref<!tpu.dma_semaphore, #tpu.memory_space<semaphore_mem>>
      %dma_start3A_43 = arith.constant 0 : i32
      %dma_start3A_44 = arith.constant 0 : i32
      %dma_start3A_45 = tpu.memref_slice %arg7[%dma_start3A_43, %dma_start3A_44] : memref<10240x128xf32, #tpu.memory_space<vmem_shared>> -> memref<10240x128xf32, #tpu.memory_space<vmem_shared>>
      tpu.enqueue_indirect_dma source(%arg10 : memref<80x128xf32, #tpu.memory_space<vmem>>) target(%dma_start3A_45 : memref<10240x128xf32, #tpu.memory_space<vmem_shared>>) offsets(%arg9 : memref<80xi32, #tpu.memory_space<vmem>>) semaphore(%run_scoped3A : memref<!tpu.dma_semaphore, #tpu.memory_space<semaphore_mem>>) {add = true}
      %dma_wait3A_46 = arith.constant 0 : i32
      %dma_wait3A_47 = arith.constant 0 : i32
      %dma_wait3A_48 = tpu.memref_slice %arg7[%dma_wait3A_46, %dma_wait3A_47] : memref<10240x128xf32, #tpu.memory_space<vmem_shared>> -> memref<10240x128xf32, #tpu.memory_space<vmem_shared>>
      tpu.wait_indirect_dma semaphore(%run_scoped3A : memref<!tpu.dma_semaphore, #tpu.memory_space<semaphore_mem>>) src(%arg10 : memref<80x128xf32, #tpu.memory_space<vmem>>) dst(%dma_wait3A_48 : memref<10240x128xf32, #tpu.memory_space<vmem_shared>>)
      tpu.yield
    }) : () -> ()
    %add3A_25 = arith.constant 10000 : i32
    %add3A_26 = arith.addi %mul3A_7, %add3A_25 : i32
    "tpu.region"() ({
      %run_scoped3A = tpu.sem_alloc : memref<!tpu.dma_semaphore, #tpu.memory_space<semaphore_mem>>
      %dma_start3A_43 = tpu.memref_slice %arg3[%add3A_26] : memref<320160xi32, #tpu.memory_space<hbm>> -> memref<80xi32, #tpu.memory_space<hbm>>
      %dma_start3A_44 = tpu.memref_slice %arg3[%add3A_26] : memref<320160xi32, #tpu.memory_space<hbm>> -> memref<80xi32, #tpu.memory_space<hbm>>
      tpu.enqueue_dma source(%dma_start3A_44 : memref<80xi32, #tpu.memory_space<hbm>>) target(%arg8 : memref<80xi32, #tpu.memory_space<vmem>>) target_semaphore(%run_scoped3A : memref<!tpu.dma_semaphore, #tpu.memory_space<semaphore_mem>>)
      %dma_wait3A_45 = tpu.memref_slice %arg3[%add3A_26] : memref<320160xi32, #tpu.memory_space<hbm>> -> memref<80xi32, #tpu.memory_space<hbm>>
      %dma_wait3A_46 = tpu.memref_slice %arg3[%add3A_26] : memref<320160xi32, #tpu.memory_space<hbm>> -> memref<80xi32, #tpu.memory_space<hbm>>
      tpu.wait_dma2 semaphore(%run_scoped3A : memref<!tpu.dma_semaphore, #tpu.memory_space<semaphore_mem>>) src(%dma_wait3A_46 : memref<80xi32, #tpu.memory_space<hbm>>) dst(%arg8 : memref<80xi32, #tpu.memory_space<vmem>>)
      tpu.yield
    }) : () -> ()
    %dma_start3A_27 = arith.constant 0 : i32
    %dma_start3A_28 = arith.constant 0 : i32
    %dma_start3A_29 = tpu.memref_slice %arg2[%dma_start3A_27, %dma_start3A_28] : memref<10000x128xf32, #tpu.memory_space<hbm>> -> memref<10000x128xf32, #tpu.memory_space<hbm>>
    tpu.enqueue_indirect_dma source(%dma_start3A_29 : memref<10000x128xf32, #tpu.memory_space<hbm>>) target(%arg10 : memref<80x128xf32, #tpu.memory_space<vmem>>) offsets(%arg8 : memref<80xi32, #tpu.memory_space<vmem>>) semaphore(%arg14 : memref<!tpu.dma_semaphore, #tpu.memory_space<semaphore_mem>>)
    %dma_wait3A_30 = arith.constant 0 : i32
    %dma_wait3A_31 = arith.constant 0 : i32
    %dma_wait3A_32 = tpu.memref_slice %arg2[%dma_wait3A_30, %dma_wait3A_31] : memref<10000x128xf32, #tpu.memory_space<hbm>> -> memref<10000x128xf32, #tpu.memory_space<hbm>>
    tpu.wait_indirect_dma semaphore(%arg14 : memref<!tpu.dma_semaphore, #tpu.memory_space<semaphore_mem>>) src(%dma_wait3A_32 : memref<10000x128xf32, #tpu.memory_space<hbm>>) dst(%arg10 : memref<80x128xf32, #tpu.memory_space<vmem>>)
    %dma_wait3A_33 = arith.constant 0 : i32
    %dma_wait3A_34 = arith.constant 0 : i32
    %dma_wait3A_35 = tpu.memref_slice %arg2[%dma_wait3A_33, %dma_wait3A_34] : memref<10000x128xf32, #tpu.memory_space<hbm>> -> memref<10000x128xf32, #tpu.memory_space<hbm>>
    tpu.wait_indirect_dma semaphore(%arg15 : memref<!tpu.dma_semaphore, #tpu.memory_space<semaphore_mem>>) src(%dma_wait3A_35 : memref<10000x128xf32, #tpu.memory_space<hbm>>) dst(%arg13 : memref<80x128xf32, #tpu.memory_space<vmem>>)
    %barrier3A_36 = arith.constant 0 : index
    tpu.barrier barrier_id(%barrier3A_36)
    %scan3A_37 = arith.constant 0 : i32
    %scan3A_38 = arith.constant 0 : i32
    %scan3A_39 = arith.constant 8 : i32
    %scan3A_40 = arith.addi %scan3A_38, %scan3A_39 : i32
    %scan3A_41 = arith.constant 1 : i32
    scf.for %scan3A_43 = %scan3A_38 to %scan3A_40 step %scan3A_41  : i32 {
      %mul3A_44 = arith.constant 640 : i32
      %mul3A_45 = arith.muli %arg1, %mul3A_44 : i32
      %mul3A_46 = arith.constant 80 : i32
      %mul3A_47 = arith.muli %scan3A_43, %mul3A_46 : i32
      %add3A_48 = arith.addi %mul3A_45, %mul3A_47 : i32
      "tpu.region"() ({
        %run_scoped3A = tpu.sem_alloc : memref<!tpu.dma_semaphore, #tpu.memory_space<semaphore_mem>>
        %dma_start3A_49 = arith.constant 0 : i32
        %dma_start3A_50 = tpu.memref_slice %arg7[%add3A_48, %dma_start3A_49] : memref<10240x128xf32, #tpu.memory_space<vmem_shared>> -> memref<80x128xf32, #tpu.memory_space<vmem_shared>>
        %dma_start3A_51 = arith.constant 0 : i32
        %dma_start3A_52 = tpu.memref_slice %arg7[%add3A_48, %dma_start3A_51] : memref<10240x128xf32, #tpu.memory_space<vmem_shared>> -> memref<80x128xf32, #tpu.memory_space<vmem_shared>>
        tpu.enqueue_dma source(%dma_start3A_52 : memref<80x128xf32, #tpu.memory_space<vmem_shared>>) target(%arg10 : memref<80x128xf32, #tpu.memory_space<vmem>>) target_semaphore(%run_scoped3A : memref<!tpu.dma_semaphore, #tpu.memory_space<semaphore_mem>>)
        %dma_wait3A_53 = arith.constant 0 : i32
        %dma_wait3A_54 = tpu.memref_slice %arg7[%add3A_48, %dma_wait3A_53] : memref<10240x128xf32, #tpu.memory_space<vmem_shared>> -> memref<80x128xf32, #tpu.memory_space<vmem_shared>>
        %dma_wait3A_55 = arith.constant 0 : i32
        %dma_wait3A_56 = tpu.memref_slice %arg7[%add3A_48, %dma_wait3A_55] : memref<10240x128xf32, #tpu.memory_space<vmem_shared>> -> memref<80x128xf32, #tpu.memory_space<vmem_shared>>
        tpu.wait_dma2 semaphore(%run_scoped3A : memref<!tpu.dma_semaphore, #tpu.memory_space<semaphore_mem>>) src(%dma_wait3A_56 : memref<80x128xf32, #tpu.memory_space<vmem_shared>>) dst(%arg10 : memref<80x128xf32, #tpu.memory_space<vmem>>)
        tpu.yield
      }) : () -> ()
      "tpu.region"() ({
        %run_scoped3A = tpu.sem_alloc : memref<!tpu.dma_semaphore, #tpu.memory_space<semaphore_mem>>
        %dma_start3A_49 = arith.constant 0 : i32
        %dma_start3A_50 = tpu.memref_slice %arg6[%arg0, %add3A_48, %dma_start3A_49] : memref<2x10240x128xf32, #tpu.memory_space<hbm>> -> memref<1x80x128xf32, #tpu.memory_space<hbm>>
        %dma_start3A_51 = tpu.memref_squeeze %dma_start3A_50 : memref<1x80x128xf32, #tpu.memory_space<hbm>> -> memref<80x128xf32, #tpu.memory_space<hbm>>
        %dma_start3A_52 = arith.constant 0 : i32
        %dma_start3A_53 = tpu.memref_slice %arg6[%arg0, %add3A_48, %dma_start3A_52] : memref<2x10240x128xf32, #tpu.memory_space<hbm>> -> memref<1x80x128xf32, #tpu.memory_space<hbm>>
        %dma_start3A_54 = tpu.memref_squeeze %dma_start3A_53 : memref<1x80x128xf32, #tpu.memory_space<hbm>> -> memref<80x128xf32, #tpu.memory_space<hbm>>
        tpu.enqueue_dma source(%arg10 : memref<80x128xf32, #tpu.memory_space<vmem>>) target(%dma_start3A_54 : memref<80x128xf32, #tpu.memory_space<hbm>>) target_semaphore(%run_scoped3A : memref<!tpu.dma_semaphore, #tpu.memory_space<semaphore_mem>>)
        %dma_wait3A_55 = arith.constant 0 : i32
        %dma_wait3A_56 = tpu.memref_slice %arg6[%arg0, %add3A_48, %dma_wait3A_55] : memref<2x10240x128xf32, #tpu.memory_space<hbm>> -> memref<1x80x128xf32, #tpu.memory_space<hbm>>
        %dma_wait3A_57 = tpu.memref_squeeze %dma_wait3A_56 : memref<1x80x128xf32, #tpu.memory_space<hbm>> -> memref<80x128xf32, #tpu.memory_space<hbm>>
        %dma_wait3A_58 = arith.constant 0 : i32
        %dma_wait3A_59 = tpu.memref_slice %arg6[%arg0, %add3A_48, %dma_wait3A_58] : memref<2x10240x128xf32, #tpu.memory_space<hbm>> -> memref<1x80x128xf32, #tpu.memory_space<hbm>>
        %dma_wait3A_60 = tpu.memref_squeeze %dma_wait3A_59 : memref<1x80x128xf32, #tpu.memory_space<hbm>> -> memref<80x128xf32, #tpu.memory_space<hbm>>
        tpu.wait_dma2 semaphore(%run_scoped3A : memref<!tpu.dma_semaphore, #tpu.memory_space<semaphore_mem>>) src(%arg10 : memref<80x128xf32, #tpu.memory_space<vmem>>) dst(%dma_wait3A_60 : memref<80x128xf32, #tpu.memory_space<hbm>>)
        tpu.yield
      }) : () -> ()
    }
    %scan3A_42 = arith.constant 8 : i32
    return
  }
}

module attributes {stable_mosaic.version = 14 : i64} {
  func.func @_tc_pre_body(%arg0: memref<10000x128xf32, #tpu.memory_space<vmem>>, %arg1: memref<128x128xf32, #tpu.memory_space<vmem>>, %arg2: memref<2x10240x16xf32, #tpu.memory_space<vmem>>, %arg3: memref<10000x128xf32, #tpu.memory_space<vmem>>, %arg4: memref<10000x1xf32, #tpu.memory_space<vmem>>) attributes {dimension_semantics = [], scalar_prefetch = 0 : i64, scratch_operands = 0 : i64, tpu.core_type = #tpu.core_type<tc>} {
    %get3A = arith.constant 0 : index
    %get3A_0 = arith.constant 0 : index
    %get3A_1 = arith.constant 0 : index
    %get3A_2 = vector.load %arg2[%get3A, %get3A_0, %get3A_1] : memref<2x10240x16xf32, #tpu.memory_space<vmem>>, vector<1x10000x1xf32>
    %get3A_3 = vector.shape_cast %get3A_2 : vector<1x10000x1xf32> to vector<10000x1xf32>
    %get3A_4 = arith.constant 1 : index
    %get3A_5 = arith.constant 0 : index
    %get3A_6 = arith.constant 0 : index
    %get3A_7 = vector.load %arg2[%get3A_4, %get3A_5, %get3A_6] : memref<2x10240x16xf32, #tpu.memory_space<vmem>>, vector<1x10000x1xf32>
    %get3A_8 = vector.shape_cast %get3A_7 : vector<1x10000x1xf32> to vector<10000x1xf32>
    %add3A = arith.addf %get3A_3, %get3A_8 : vector<10000x1xf32>
    %add3A_9 = arith.constant 1.000000e+00 : f32
    %add3A_10 = vector.broadcast %add3A_9 : f32 to vector<10000x1xf32>
    %add3A_11 = arith.addf %add3A, %add3A_10 : vector<10000x1xf32>
    %rsqrt3A = math.rsqrt %add3A_11 : vector<10000x1xf32>
    %get3A_12 = arith.constant 0 : index
    %get3A_13 = arith.constant 0 : index
    %get3A_14 = vector.load %arg0[%get3A_12, %get3A_13] : memref<10000x128xf32, #tpu.memory_space<vmem>>, vector<10000x128xf32>
    %get3A_15 = arith.constant 0 : index
    %get3A_16 = arith.constant 0 : index
    %get3A_17 = vector.load %arg1[%get3A_15, %get3A_16] : memref<128x128xf32, #tpu.memory_space<vmem>>, vector<128x128xf32>
    %dot_general3A = arith.constant dense<0.000000e+00> : vector<10000x128xf32>
    %dot_general3A_18 = tpu.matmul %get3A_14, %get3A_17, %dot_general3A {dimension_numbers = #tpu.dot_dimension_numbers<[1], [0], [0], [1], [0, 0, 1, 1], [], []>, transpose_lhs_hint = false} : vector<10000x128xf32>, vector<128x128xf32>, vector<10000x128xf32> -> vector<10000x128xf32>
    %mul3A = vector.broadcast %rsqrt3A : vector<10000x1xf32> to vector<10000x128xf32>
    %mul3A_19 = arith.mulf %dot_general3A_18, %mul3A : vector<10000x128xf32>
    %swap3A = arith.constant 0 : index
    %swap3A_20 = arith.constant 0 : index
    %swap3A_21 = vector.load %arg3[%swap3A, %swap3A_20] : memref<10000x128xf32, #tpu.memory_space<vmem>>, vector<10000x128xf32>
    tpu.vector_store %arg3[%swap3A, %swap3A_20], %mul3A_19 {strides = array<i32>} : memref<10000x128xf32, #tpu.memory_space<vmem>>, vector<10000x128xf32>,
    %swap3A_22 = arith.constant 0 : index
    %swap3A_23 = arith.constant 0 : index
    %swap3A_24 = vector.load %arg4[%swap3A_22, %swap3A_23] : memref<10000x1xf32, #tpu.memory_space<vmem>>, vector<10000x1xf32>
    tpu.vector_store %arg4[%swap3A_22, %swap3A_23], %rsqrt3A {strides = array<i32>} : memref<10000x1xf32, #tpu.memory_space<vmem>>, vector<10000x1xf32>,
    return
  }
}

module attributes {stable_mosaic.version = 14 : i64} {
  func.func @_tc_mid_body(%arg0: memref<2x10240x128xf32, #tpu.memory_space<vmem>>, %arg1: memref<10000x128xf32, #tpu.memory_space<vmem>>, %arg2: memref<10000x1xf32, #tpu.memory_space<vmem>>, %arg3: memref<1x128xf32, #tpu.memory_space<vmem>>, %arg4: memref<1x128xf32, #tpu.memory_space<vmem>>, %arg5: memref<1x128xf32, #tpu.memory_space<vmem>>, %arg6: memref<128x64xf32, #tpu.memory_space<vmem>>, %arg7: memref<10000x64xf32, #tpu.memory_space<vmem>>) attributes {dimension_semantics = [], scalar_prefetch = 0 : i64, scratch_operands = 0 : i64, tpu.core_type = #tpu.core_type<tc>} {
    %get3A = arith.constant 0 : index
    %get3A_0 = arith.constant 0 : index
    %get3A_1 = vector.load %arg2[%get3A, %get3A_0] : memref<10000x1xf32, #tpu.memory_space<vmem>>, vector<10000x1xf32>
    %get3A_2 = arith.constant 0 : index
    %get3A_3 = arith.constant 0 : index
    %get3A_4 = arith.constant 0 : index
    %get3A_5 = vector.load %arg0[%get3A_2, %get3A_3, %get3A_4] : memref<2x10240x128xf32, #tpu.memory_space<vmem>>, vector<1x10000x128xf32>
    %get3A_6 = vector.shape_cast %get3A_5 : vector<1x10000x128xf32> to vector<10000x128xf32>
    %get3A_7 = arith.constant 1 : index
    %get3A_8 = arith.constant 0 : index
    %get3A_9 = arith.constant 0 : index
    %get3A_10 = vector.load %arg0[%get3A_7, %get3A_8, %get3A_9] : memref<2x10240x128xf32, #tpu.memory_space<vmem>>, vector<1x10000x128xf32>
    %get3A_11 = vector.shape_cast %get3A_10 : vector<1x10000x128xf32> to vector<10000x128xf32>
    %add3A = arith.addf %get3A_6, %get3A_11 : vector<10000x128xf32>
    %get3A_12 = arith.constant 0 : index
    %get3A_13 = arith.constant 0 : index
    %get3A_14 = vector.load %arg1[%get3A_12, %get3A_13] : memref<10000x128xf32, #tpu.memory_space<vmem>>, vector<10000x128xf32>
    %add3A_15 = arith.addf %add3A, %get3A_14 : vector<10000x128xf32>
    %mul3A = vector.broadcast %get3A_1 : vector<10000x1xf32> to vector<10000x128xf32>
    %mul3A_16 = arith.mulf %mul3A, %add3A_15 : vector<10000x128xf32>
    %get3A_17 = arith.constant 0 : index
    %get3A_18 = arith.constant 0 : index
    %get3A_19 = vector.load %arg3[%get3A_17, %get3A_18] : memref<1x128xf32, #tpu.memory_space<vmem>>, vector<1x128xf32>
    %add3A_20 = vector.broadcast %get3A_19 : vector<1x128xf32> to vector<10000x128xf32>
    %add3A_21 = arith.addf %mul3A_16, %add3A_20 : vector<10000x128xf32>
    %reduce_sum3A = arith.constant dense<0.000000e+00> : vector<128xf32>
    %reduce_sum3A_22 = vector.multi_reduction <add>, %add3A_21, %reduce_sum3A [0] : vector<10000x128xf32> to vector<128xf32>
    %broadcast_in_dim3A = vector.shape_cast %reduce_sum3A_22 : vector<128xf32> to vector<1x128xf32>
    %div3A = arith.constant 1.000000e+04 : f32
    %div3A_23 = vector.broadcast %div3A : f32 to vector<1x128xf32>
    %div3A_24 = arith.divf %broadcast_in_dim3A, %div3A_23 : vector<1x128xf32>
    %sub3A = vector.broadcast %div3A_24 : vector<1x128xf32> to vector<10000x128xf32>
    %sub3A_25 = arith.subf %add3A_21, %sub3A : vector<10000x128xf32>
    %mul3A_26 = arith.mulf %sub3A_25, %sub3A_25 : vector<10000x128xf32>
    %reduce_sum3A_27 = arith.constant dense<0.000000e+00> : vector<128xf32>
    %reduce_sum3A_28 = vector.multi_reduction <add>, %mul3A_26, %reduce_sum3A_27 [0] : vector<10000x128xf32> to vector<128xf32>
    %broadcast_in_dim3A_29 = vector.shape_cast %reduce_sum3A_28 : vector<128xf32> to vector<1x128xf32>
    %div3A_30 = arith.constant 1.000000e+04 : f32
    %div3A_31 = vector.broadcast %div3A_30 : f32 to vector<1x128xf32>
    %div3A_32 = arith.divf %broadcast_in_dim3A_29, %div3A_31 : vector<1x128xf32>
    %get3A_33 = arith.constant 0 : index
    %get3A_34 = arith.constant 0 : index
    %get3A_35 = vector.load %arg4[%get3A_33, %get3A_34] : memref<1x128xf32, #tpu.memory_space<vmem>>, vector<1x128xf32>
    %mul3A_36 = vector.broadcast %get3A_35 : vector<1x128xf32> to vector<10000x128xf32>
    %mul3A_37 = arith.mulf %mul3A_36, %sub3A_25 : vector<10000x128xf32>
    %add3A_38 = arith.constant 9.99999974E-6 : f32
    %add3A_39 = vector.broadcast %add3A_38 : f32 to vector<1x128xf32>
    %add3A_40 = arith.addf %div3A_32, %add3A_39 : vector<1x128xf32>
    %rsqrt3A = math.rsqrt %add3A_40 : vector<1x128xf32>
    %mul3A_41 = vector.broadcast %rsqrt3A : vector<1x128xf32> to vector<10000x128xf32>
    %mul3A_42 = arith.mulf %mul3A_37, %mul3A_41 : vector<10000x128xf32>
    %get3A_43 = arith.constant 0 : index
    %get3A_44 = arith.constant 0 : index
    %get3A_45 = vector.load %arg5[%get3A_43, %get3A_44] : memref<1x128xf32, #tpu.memory_space<vmem>>, vector<1x128xf32>
    %add3A_46 = vector.broadcast %get3A_45 : vector<1x128xf32> to vector<10000x128xf32>
    %add3A_47 = arith.addf %mul3A_42, %add3A_46 : vector<10000x128xf32>
    %max3A = arith.constant 0.000000e+00 : f32
    %max3A_48 = vector.broadcast %max3A : f32 to vector<10000x128xf32>
    %max3A_49 = arith.maximumf %add3A_47, %max3A_48 : vector<10000x128xf32>
    %get3A_50 = arith.constant 0 : index
    %get3A_51 = arith.constant 0 : index
    %get3A_52 = vector.load %arg6[%get3A_50, %get3A_51] : memref<128x64xf32, #tpu.memory_space<vmem>>, vector<128x64xf32>
    %dot_general3A = arith.constant dense<0.000000e+00> : vector<10000x64xf32>
    %dot_general3A_53 = tpu.matmul %max3A_49, %get3A_52, %dot_general3A {dimension_numbers = #tpu.dot_dimension_numbers<[1], [0], [0], [1], [0, 0, 1, 1], [], []>, transpose_lhs_hint = false} : vector<10000x128xf32>, vector<128x64xf32>, vector<10000x64xf32> -> vector<10000x64xf32>
    %mul3A_54 = vector.broadcast %get3A_1 : vector<10000x1xf32> to vector<10000x64xf32>
    %mul3A_55 = arith.mulf %dot_general3A_53, %mul3A_54 : vector<10000x64xf32>
    %swap3A = arith.constant 0 : index
    %swap3A_56 = arith.constant 0 : index
    %swap3A_57 = vector.load %arg7[%swap3A, %swap3A_56] : memref<10000x64xf32, #tpu.memory_space<vmem>>, vector<10000x64xf32>
    tpu.vector_store %arg7[%swap3A, %swap3A_56], %mul3A_55 {strides = array<i32>} : memref<10000x64xf32, #tpu.memory_space<vmem>>, vector<10000x64xf32>,
    return
  }
}

module attributes {stable_mosaic.version = 14 : i64} {
  func.func @_tc_final_body(%arg0: memref<2x10240x64xf32, #tpu.memory_space<vmem>>, %arg1: memref<10000x64xf32, #tpu.memory_space<vmem>>, %arg2: memref<10000x1xf32, #tpu.memory_space<vmem>>, %arg3: memref<1x64xf32, #tpu.memory_space<vmem>>, %arg4: memref<1x64xf32, #tpu.memory_space<vmem>>, %arg5: memref<1x64xf32, #tpu.memory_space<vmem>>, %arg6: memref<10000x64xf32, #tpu.memory_space<vmem>>) attributes {dimension_semantics = [], scalar_prefetch = 0 : i64, scratch_operands = 0 : i64, tpu.core_type = #tpu.core_type<tc>} {
    %get3A = arith.constant 0 : index
    %get3A_0 = arith.constant 0 : index
    %get3A_1 = vector.load %arg2[%get3A, %get3A_0] : memref<10000x1xf32, #tpu.memory_space<vmem>>, vector<10000x1xf32>
    %get3A_2 = arith.constant 0 : index
    %get3A_3 = arith.constant 0 : index
    %get3A_4 = arith.constant 0 : index
    %get3A_5 = vector.load %arg0[%get3A_2, %get3A_3, %get3A_4] : memref<2x10240x64xf32, #tpu.memory_space<vmem>>, vector<1x10000x64xf32>
    %get3A_6 = vector.shape_cast %get3A_5 : vector<1x10000x64xf32> to vector<10000x64xf32>
    %get3A_7 = arith.constant 1 : index
    %get3A_8 = arith.constant 0 : index
    %get3A_9 = arith.constant 0 : index
    %get3A_10 = vector.load %arg0[%get3A_7, %get3A_8, %get3A_9] : memref<2x10240x64xf32, #tpu.memory_space<vmem>>, vector<1x10000x64xf32>
    %get3A_11 = vector.shape_cast %get3A_10 : vector<1x10000x64xf32> to vector<10000x64xf32>
    %add3A = arith.addf %get3A_6, %get3A_11 : vector<10000x64xf32>
    %get3A_12 = arith.constant 0 : index
    %get3A_13 = arith.constant 0 : index
    %get3A_14 = vector.load %arg1[%get3A_12, %get3A_13] : memref<10000x64xf32, #tpu.memory_space<vmem>>, vector<10000x64xf32>
    %add3A_15 = arith.addf %add3A, %get3A_14 : vector<10000x64xf32>
    %mul3A = vector.broadcast %get3A_1 : vector<10000x1xf32> to vector<10000x64xf32>
    %mul3A_16 = arith.mulf %mul3A, %add3A_15 : vector<10000x64xf32>
    %get3A_17 = arith.constant 0 : index
    %get3A_18 = arith.constant 0 : index
    %get3A_19 = vector.load %arg3[%get3A_17, %get3A_18] : memref<1x64xf32, #tpu.memory_space<vmem>>, vector<1x64xf32>
    %add3A_20 = vector.broadcast %get3A_19 : vector<1x64xf32> to vector<10000x64xf32>
    %add3A_21 = arith.addf %mul3A_16, %add3A_20 : vector<10000x64xf32>
    %reduce_sum3A = arith.constant dense<0.000000e+00> : vector<64xf32>
    %reduce_sum3A_22 = vector.multi_reduction <add>, %add3A_21, %reduce_sum3A [0] : vector<10000x64xf32> to vector<64xf32>
    %broadcast_in_dim3A = vector.shape_cast %reduce_sum3A_22 : vector<64xf32> to vector<1x64xf32>
    %div3A = arith.constant 1.000000e+04 : f32
    %div3A_23 = vector.broadcast %div3A : f32 to vector<1x64xf32>
    %div3A_24 = arith.divf %broadcast_in_dim3A, %div3A_23 : vector<1x64xf32>
    %sub3A = vector.broadcast %div3A_24 : vector<1x64xf32> to vector<10000x64xf32>
    %sub3A_25 = arith.subf %add3A_21, %sub3A : vector<10000x64xf32>
    %mul3A_26 = arith.mulf %sub3A_25, %sub3A_25 : vector<10000x64xf32>
    %reduce_sum3A_27 = arith.constant dense<0.000000e+00> : vector<64xf32>
    %reduce_sum3A_28 = vector.multi_reduction <add>, %mul3A_26, %reduce_sum3A_27 [0] : vector<10000x64xf32> to vector<64xf32>
    %broadcast_in_dim3A_29 = vector.shape_cast %reduce_sum3A_28 : vector<64xf32> to vector<1x64xf32>
    %div3A_30 = arith.constant 1.000000e+04 : f32
    %div3A_31 = vector.broadcast %div3A_30 : f32 to vector<1x64xf32>
    %div3A_32 = arith.divf %broadcast_in_dim3A_29, %div3A_31 : vector<1x64xf32>
    %get3A_33 = arith.constant 0 : index
    %get3A_34 = arith.constant 0 : index
    %get3A_35 = vector.load %arg4[%get3A_33, %get3A_34] : memref<1x64xf32, #tpu.memory_space<vmem>>, vector<1x64xf32>
    %mul3A_36 = vector.broadcast %get3A_35 : vector<1x64xf32> to vector<10000x64xf32>
    %mul3A_37 = arith.mulf %mul3A_36, %sub3A_25 : vector<10000x64xf32>
    %add3A_38 = arith.constant 9.99999974E-6 : f32
    %add3A_39 = vector.broadcast %add3A_38 : f32 to vector<1x64xf32>
    %add3A_40 = arith.addf %div3A_32, %add3A_39 : vector<1x64xf32>
    %rsqrt3A = math.rsqrt %add3A_40 : vector<1x64xf32>
    %mul3A_41 = vector.broadcast %rsqrt3A : vector<1x64xf32> to vector<10000x64xf32>
    %mul3A_42 = arith.mulf %mul3A_37, %mul3A_41 : vector<10000x64xf32>
    %get3A_43 = arith.constant 0 : index
    %get3A_44 = arith.constant 0 : index
    %get3A_45 = vector.load %arg5[%get3A_43, %get3A_44] : memref<1x64xf32, #tpu.memory_space<vmem>>, vector<1x64xf32>
    %add3A_46 = vector.broadcast %get3A_45 : vector<1x64xf32> to vector<10000x64xf32>
    %add3A_47 = arith.addf %mul3A_42, %add3A_46 : vector<10000x64xf32>
    %swap3A = arith.constant 0 : index
    %swap3A_48 = arith.constant 0 : index
    %swap3A_49 = vector.load %arg6[%swap3A, %swap3A_48] : memref<10000x64xf32, #tpu.memory_space<vmem>>, vector<10000x64xf32>
    tpu.vector_store %arg6[%swap3A, %swap3A_48], %add3A_47 {strides = array<i32>} : memref<10000x64xf32, #tpu.memory_space<vmem>>, vector<10000x64xf32>,
    return
  }
}

</mosaic_0001>

<sc_bundles>
// kernel: kernel.11.cloned.1.call-start
scs
__scs_entry_jumppad:
0x0: {  	(pc) =	sbr.rel $0x88, $3  }
0x1: {  	(tag) =	ssettag $0x0;
	lr =	simm.s32 $0x1  }
0x2: {  	[smem:$0x3F97] =	sst lr;
	_ =	strace $0xD0000000  }
0x3: {  	_ = 	snop  }
0x4: {  	_ = 	snop  }
0x5: {  	_ = 	snop  }
0x6: {  	_ = 	snop  }
0x7: {  	_ = 	snop  }
__scs_overlays_trampoline_lowered:
0x8: {  	[smem:$0x3FA6] =	sst s0  }
0x9: {  	[smem:$0x3FA7] =	sst s1  }
0xa: {  	[smem:$0x3FA8] =	sst s2  }
0xb: {  	[smem:$0x3FA9] =	sst s3  }
0xc: {  	[smem:$0x3FAA] =	sst s4  }
0xd: {  	[smem:$0x3FAB] =	sst s5  }
0xe: {  	[smem:$0x3FAC] =	sst s6  }
0xf: {  	[smem:$0x3FAD] =	sst s7  }
0x10: {  	[smem:$0x3FAE] =	sst s8  }
0x11: {  	[smem:$0x3FAF] =	sst s9;
	s0 =	simm.s32 @!p0 $0x0  }
0x12: {  	s1 =	sld [smem:$0x3F95];
	s0 =	simm.s32 @p0 $0x1  }
0x13: {  	[smem:$0x3FB0] =	sst s0;
	s0 =	simm.s32 @!p1 $0x0  }
0x14: {  	s2 =	sld [smem:$0x3F94];
	s0 =	simm.s32 @p1 $0x1  }
0x15: {  	[smem:$0x3FB1] =	sst s0;
	s0 =	simm.s32 @!p2 $0x0  }
0x16: {  	s3 =	sld [smem:$0x3FDB];
	s0 =	simm.s32 @p2 $0x1  }
0x17: {  	s4 =	simm.s32 $0x1BF5;
	[smem:$0x3FB3] =	sst s0  }
0x18: {  	s0 =	sld [smem:$0x3F96];
	_ =	swait.ge [sflag:s4], $0x0  }
0x19: {  	s7 =	sld [smem:$0x3F97]  }
0x1a: {  	s8 =	sadd.s32 $0xFFFFE003, lr  }
0x1b: {  	s9 =	sadd.s32 $0xFFFFFEF7, lr;
	s5 =	simm.s32 $0xFFFFFFFF;
	p2 =	slt.u32 s8, $0xFFFFF086  }
0x1c: {  	p1 =	slt.u32 s9, $0xF7A;
	s5 =	simm.s32 @!p2 $0x0  }
0x1d: {  	s5 =	simm.s32 @p1 $0x1;
	p0 =	seq.s32 s7, s2  }
0x1e: {  	s7 =	smul.u32 @!p0 $0xF7A, s2;
	p2 =	seq.s32 @!p0 s5, $0x0  }
0x1f: {  	s9 =	smul.u32 $0xF7A, s1;
	s8 =	simm.s32 @!p0 $0x1BF5;
	p2 =	por !p2, p0  }
0x20: {  	[sflag:s8] =	ssyncset.s32 @!p0 $0xFFFFF086;
	s6 =	sadd.s32 @!p0 s3, s7;
	s7 =	simm.s32 @!p0 $0x108  }
0x21: {  	s3 =	sadd.s32 s3, s9;
	s6 =	sadd.s32 @!p0 $0x88, s6;
	s7 =	simm.s32 @p2 $0x1082  }
0x22: {  	[simem:s7], [sflag:s8] =	dma.local @!p0 [hbm:s6], $0xF7A  }
0x23: {  	s9 =	sor.u32 $0xD0000000, s2;
	s6 =	simm.s32 $0x108;
	_ =	swait.ge @!p0 [sflag:s8], $0x0  }
0x24: {  	s3 =	sadd.s32 $0x88, s3;
	s6 =	simm.s32 @!p1 $0x1082;
	[sflag:s4] =	ssyncset.s32 $0xFFFFF086  }
0x25: {  	[simem:s6], [sflag:s4] =	dma.local [hbm:s3], $0xF7A  }
0x26: {  	[smem:$0x3F97] =	sst s1;
	(tag) =	ssettag s2;
	_ =	strace s9  }
0x27: {  	s1 =	sld [smem:$0x3FA7]  }
0x28: {  	s2 =	sld [smem:$0x3FA8]  }
0x29: {  	s4 =	sld [smem:$0x3FAA]  }
0x2a: {  	p0 =	seq.s32 s5, $0x0;
	s5 =	sld [smem:$0x3FAB]  }
0x2b: {  	s6 =	sld [smem:$0x3FAC]  }
0x2c: {  	s7 =	sld [smem:$0x3FAD]  }
0x2d: {  	s3 =	simm.s32 $0x108;
	s8 =	sld [smem:$0x3FAE]  }
0x2e: {  	s3 =	simm.s32 @!p0 $0x1082;
	s9 =	sld [smem:$0x3FAF]  }
0x2f: {  	lr =	sadd.s32 s0, s3;
	s0 =	sld [smem:$0x3FA6]  }
0x30: {  	s3 =	sld [smem:$0x3FA9]  }
0x31: {  	[smem:$0x3FB2] =	sst s10  }
0x32: {  	s10 =	sld [smem:$0x3FB0];
	_ =	sdelay $0x3  }
0x33: {  	p0 =	seq.s32 s10, $0x1;
	s10 =	sld [smem:$0x3FB2];
	_ =	sdelay $0x3  }
0x34: {  	[smem:$0x3FB2] =	sst s10  }
0x35: {  	s10 =	sld [smem:$0x3FB1];
	_ =	sdelay $0x3  }
0x36: {  	p1 =	seq.s32 s10, $0x1;
	s10 =	sld [smem:$0x3FB2];
	_ =	sdelay $0x3  }
0x37: {  	[smem:$0x3FB2] =	sst s10  }
0x38: {  	s10 =	sld [smem:$0x3FB3]  }
0x39: {  	_ = 	snop;
	(pc) =	sbr.ind lr, $3  }
0x3a: {  	_ = 	snop  }
0x3b: {  	_ = 	snop  }
0x3c: {  	p2 =	seq.s32 s10, $0x1;
	s10 =	sld [smem:$0x3FB2]  }
0x3d: {  	_ =	shalt  }
0x3e: {  	_ =	shalt  }
0x3f: {  	_ =	shalt  }
0x40: {  	_ =	shalt  }
0x41: {  	_ =	shalt  }
0x42: {  	_ =	shalt  }
0x43: {  	_ =	shalt  }
0x44: {  	_ =	shalt  }
0x45: {  	_ =	shalt  }
0x46: {  	_ =	shalt  }
0x47: {  	_ =	shalt  }
0x48: {  	_ =	shalt  }
0x49: {  	_ =	shalt  }
0x4a: {  	_ =	shalt  }
0x4b: {  	_ =	shalt  }
0x4c: {  	_ =	shalt  }
0x4d: {  	_ =	shalt  }
0x4e: {  	_ =	shalt  }
0x4f: {  	_ =	shalt  }
0x50: {  	_ =	shalt  }
0x51: {  	_ =	shalt  }
0x52: {  	_ =	shalt  }
0x53: {  	_ =	shalt  }
0x54: {  	_ =	shalt  }
0x55: {  	_ =	shalt  }
0x56: {  	_ =	shalt  }
0x57: {  	_ =	shalt  }
0x58: {  	_ =	shalt  }
0x59: {  	_ =	shalt  }
0x5a: {  	_ =	shalt  }
0x5b: {  	_ =	shalt  }
0x5c: {  	_ =	shalt  }
0x5d: {  	_ =	shalt  }
0x5e: {  	_ =	shalt  }
0x5f: {  	_ =	shalt  }
0x60: {  	_ =	shalt  }
0x61: {  	_ =	shalt  }
0x62: {  	_ =	shalt  }
0x63: {  	_ =	shalt  }
0x64: {  	_ =	shalt  }
0x65: {  	_ =	shalt  }
0x66: {  	_ =	shalt  }
0x67: {  	_ =	shalt  }
0x68: {  	_ =	shalt  }
0x69: {  	_ =	shalt  }
0x6a: {  	_ =	shalt  }
0x6b: {  	_ =	shalt  }
0x6c: {  	_ =	shalt  }
0x6d: {  	_ =	shalt  }
0x6e: {  	_ =	shalt  }
0x6f: {  	_ =	shalt  }
0x70: {  	_ =	shalt  }
0x71: {  	_ =	shalt  }
0x72: {  	_ =	shalt  }
0x73: {  	_ =	shalt  }
0x74: {  	_ =	shalt  }
0x75: {  	_ =	shalt  }
0x76: {  	_ =	shalt  }
0x77: {  	_ =	shalt  }
0x78: {  	_ =	shalt  }
0x79: {  	_ =	shalt  }
0x7a: {  	_ =	shalt  }
0x7b: {  	_ =	shalt  }
0x7c: {  	_ =	shalt  }
0x7d: {  	_ =	shalt  }
0x7e: {  	_ =	shalt  }
0x7f: {  	_ =	shalt  }
0x80: {  	_ =	shalt  }
0x81: {  	_ =	shalt  }
0x82: {  	_ =	shalt  }
0x83: {  	_ =	shalt  }
0x84: {  	_ =	shalt  }
0x85: {  	_ =	shalt  }
0x86: {  	_ =	shalt  }
0x87: {  	_ =	shalt  }
.Lfunc_end0:
.L_simem_size_0:
called_computation.1_lowered:
.L_overlay_start_0:
0x88: {  	s2 =	sld [smem:$0x3FD9]  }
0x89: {  	s3 =	sld [smem:$0x3FFE];
	_ =	sdelay $0x1  }
0x8a: {  	s1 =	srdreg.scid  }
0x8b: {  	s0 =	sand.u32 $0x1, s1  }
0x8c: {  	s17 =	sshll.u32 s0, $0xA;
	s2 =	sadd.s32 s3, s2  }
0x8d: {  	s2 =	sadd.s32 s2, s17  }
0x8e: {  	[smem:$0x3FBE] =	sst s2  }
0x8f: {  	_ = 	snop  }
0x90: {  	s2 =	sld [smem:$0x3FD0];
	(tm) =	ssettm $0x1  }
0x91: {  	s18 =	sld [smem:$0x3FFB];
	_ =	sdelay $0x3  }
0x92: {  	_ =	strace s18  }
0x93: {  	s3 =	sld [smem:$0x3FFC];
	_ =	sdelay $0x3  }
0x94: {  	_ =	strace s3  }
0x95: {  	s3 =	sld [smem:$0x3FFD];
	_ =	sdelay $0x3  }
0x96: {  	_ =	strace s3  }
0x97: {  	_ =	strace $0x8FFFFFFF  }
0x98: {  	s19 =	sld [smem:$0x3FDB];
	_ =	sdelay $0x1  }
0x99: {  	s4 =	simm.s32 $_scs_section_size  }
0x9a: {  	s5 =	simm.s32 $_size__tile_overlayer_lowered;
	s6 =	simm.s32 $_tile_overlayer_lowered  }
0x9b: {  	s22 =	simm.s32 $0x1BFF;
	s21 =	sshll.u32 s6, $0x1;
	s3 =	sadd.s32 s4, s19  }
0x9c: {  	s7 =	simm.s32 $0x0;
	s20 =	sshll.u32 s5, $0x1;
	s5 =	sadd.s32 s21, s3  }
0x9d: {  	[timem:s7], [sflag:s22] =	dma.local [hbm:s5], s20  }
0x9e: {  	_ =	swait.ge [sflag:s22], s20  }
0x9f: {  	s4 =	ssub.s32 $0x0, s20;
	[sflag:s22] =	ssyncset.done $0x0  }
0xa0: {  	[sflag:s22] =	ssyncadd.s32 s4;
	_ =	sdelay $0x1  }
0xa1: {  	s23 =	simm.s32 $0x1B8B  }
0xa2: {  	_ =	swait.ge [sflag:s23], $0x1  }
0xa3: {  	[sflag:s23] =	ssyncset.done $0x0  }
0xa4: {  	s25 =	simm.s32 $0x1B8E;
	s24 =	sld [smem:$0x3FFE];
	[sflag:s23] =	ssyncadd.s32 $0xFFFFFFFF  }
0xa5: {  	s26 =	simm.s32 $execute0_lowered;
	[smem:$0x3FD2] =	sst s25  }
0xa6: {  	s5 =	sshll.u32 s26, $0x1;
	_ =	strace $0x80000049;
	[dreg:$0x1] =	wrdreg $0xFFFFFFFF  }
0xa7: {  	s28 =	simm.s32 $_size_execute0_lowered;
	s3 =	sadd.s32 s3, s5;
	[dreg:$0x0] =	wrdreg $0x0  }
0xa8: {  	s5 =	sshll.u32 s28, $0x1;
	[dreg:$0x2] =	wrdreg s3  }
0xa9: {  	[dreg:$0x3] =	wrdreg s5  }
0xaa: {  	[dreg:$0x4] =	wrdreg $0xC0  }
0xab: {  	_ =	task [dreg:s7], $0x5FFFF  }
0xac: {  	[dreg:$0x1] =	wrdreg $0xFFFFFFFF  }
0xad: {  	[dreg:$0x0] =	wrdreg $0x60  }
0xae: {  	[dreg:$0x2] =	wrdreg s24  }
0xaf: {  	[dreg:$0x3] =	wrdreg s2  }
0xb0: {  	[dreg:$0x4] =	wrdreg $0x0  }
0xb1: {  	[dreg:$0x5] =	wrdreg $0x9  }
0xb2: {  	_ =	task.clear_ibuf [dreg:s7], $0x6FFFF;
	_ =	strace $0x90000049  }
0xb3: {  	s29 =	simm.s32 $0x9;
	_ =	strace $0x8000004B  }
0xb4: {  	_ =	swait.ge [sflag:s29], $0x1  }
0xb5: {  	[sflag:s29] =	ssyncadd.s32 $0xFFFFFFFF  }
0xb6: {  	_ =	strace $0x9000004B  }
0xb7: {  	_ =	sfence  }
0xb8: {  	s30 =	sld [smem:$0x0];
	_ =	sdelay $0x2  }
0xb9: {  	s31 =	sshll.u32 s1, $0xD;
	s1 =	sshrl.u32 s1, $0x2  }
0xba: {  	s3 =	sand.u32 $0x4000, s31;
	s1 =	sadd.s32 s1, s30  }
0xbb: {  	s0 =	sor.u32 s3, s0;
	s1 =	sshll.u32 s1, $0x11  }
0xbc: {  	s0 =	sor.u32 s1, s0  }
0xbd: {  	s0 =	sadd.s32 $0x8F2B, s0  }
0xbe: {  	[sflag:s0] =	ssyncadd.remote.s32 $0x1  }
0xbf: {  	_ =	sfence.sel $0xFFFF  }
0xc0: {  	[dreg:$0x0] =	wrdreg $0xFFFFFFFF;
	(pc) =	sbr.abs _section_cstart, $3  }
0xc1: {  	[dreg:$0x1] =	wrdreg $0xFFFFFFFF  }
0xc2: {  	_ =	task.clear_ibuf [dreg:s7], $0x2FFFF;
	_ =	strace $0x9FFFFFFF  }
0xc3: {  	(tm) =	ssettm $0x7FFFFFFF  }
tec
execute0_lowered:
.L_overlay_start_1:
0x0: {  	(tag) =	ssettag $0x1  }
0x1: {  	s0 =	rddreg [dreg:$0x0]  }
0x2: {  	s2 =	rddreg [dreg:$0x2];
	s1 =	srdreg.scid  }
0x3: {  	s4 =	simm.s32 $0x0;
	s16 =	stileid.u32;
	s1 =	sand.u32 $0x1, s1  }
0x4: {  	[smem:$0x7FF] =	sst s4;
	s7 =	smul.u32 $0x14000, s16;
	s3 =	ssub.s32 $0x2, s1  }
0x5: {  	s8 =	sadd.s32 $0x47C00, s0;
	s6 =	sshll.u32 s1, $0x4;
	s5 =	sshrl.u32 s3, $0x1  }
0x6: {  	s9 =	sor.u32 $0x2800, s7;
	s10 =	sadd.s32 $0x5000, s7;
	s11 =	sadd.s32 $0x7800, s7  }
0x7: {  	s12 =	sadd.s32 $0xA000, s7;
	s17 =	sadd.s32 $0xC800, s7;
	s18 =	sadd.s32 $0xF000, s7  }
0x8: {  	s3 =	ssub.s32 s3, s5;
	s5 =	sor.u32 s16, s6;
	s6 =	smul.u32 $0x140000, s1  }
0x9: {  	s19 =	sadd.s32 $0x11800, s7;
	s1 =	smul.u32 $0x27100, s1;
	s28 =	sadd.s32 s17, s2  }
0xa: {  	s29 =	sadd.s32 s18, s2;
	s30 =	sadd.s32 s19, s2;
	s5 =	smul.u32 $0x2710, s5  }
0xb: {  	s3 =	smax.u32 s3, $0x1;
	s13 =	sadd.s32 s6, s7;
	s14 =	sadd.s32 s6, s9  }
0xc: {  	s15 =	sadd.s32 s6, s10;
	s21 =	sadd.s32 s6, s11;
	s22 =	sadd.s32 s6, s12  }
0xd: {  	s23 =	sadd.s32 s6, s17;
	s17 =	simm.s32 $0x1;
	s13 =	sshrl.u32 s13, $0x3  }
0xe: {  	s14 =	sshrl.u32 s14, $0x3;
	s15 =	sshrl.u32 s15, $0x3;
	s24 =	sshrl.u32 s22, $0x3  }
0xf: {  	s25 =	sshrl.u32 s23, $0x3;
	s23 =	sadd.s32 s9, s2;
	s13 =	sadd.s32 s8, s13  }
0x10: {  	s9 =	simm.s32 $0x50;
	s20 =	sadd.s32 s8, s15;
	[dreg:$0x4] =	wrdreg s13  }
0x11: {  	s26 =	sadd.s32 s8, s25;
	s15 =	smul.u32 $0x2710, s16;
	[dreg:$0x6] =	wrdreg s20  }
0x12: {  	s13 =	sadd.s32 s8, s14;
	[dreg:$0x9] =	wrdreg s26;
	s14 =	sadd.s32 s6, s18  }
0x13: {  	s6 =	sadd.s32 s6, s19;
	s20 =	sshrl.u32 s5, $0x3;
	s5 =	simm.s32 $0x140A0  }
0x14: {  	s18 =	simm.s32 $0x2;
	s19 =	simm.s32 $0x0;
	[dreg:$0x5] =	wrdreg s13  }
0x15: {  	s13 =	sshrl.u32 s21, $0x3;
	s6 =	sshrl.u32 s6, $0x3;
	s1 =	sadd.s32 s15, s1  }
0x16: {  	s15 =	sadd.s32 $0xCE00, s0;
	s21 =	smul.u32 $0x50000, s16;
	s13 =	sadd.s32 s8, s13  }
0x17: {  	s6 =	sadd.s32 s8, s6;
	s25 =	sadd.s32 s15, s20;
	[dreg:$0x7] =	wrdreg s13  }
0x18: {  	s13 =	sadd.s32 s8, s24;
	[dreg:$0xb] =	wrdreg s6;
	s16 =	sshrl.u32 s21, $0x2  }
0x19: {  	[dreg:$0x8] =	wrdreg s13;
	s13 =	sshrl.u32 s14, $0x3;
	s14 =	sadd.s32 $0x16C00, s0  }
0x1a: {  	s24 =	sadd.s32 s10, s2;
	s13 =	sadd.s32 s8, s13;
	s22 =	sadd.s32 s14, s20  }
0x1b: {  	[dreg:$0xa] =	wrdreg s13;
	s13 =	sadd.s32 $0x20A00, s0;
	s0 =	sadd.s32 $0xA, s20  }
0x1c: {  	s20 =	sadd.s32 s7, s2;
	_ =	strace $0x8000004A;
	[dreg:$0xd] =	wrdreg s25  }
0x1d: {  	s21 =	sadd.s32 $0xF0, s1;
	s6 =	simm.s32 $0x3;
	[dreg:$0x10] =	wrdreg s20  }
0x1e: {  	s10 =	simm.s32 $0x168A0;
	s8 =	simm.s32 $0x14050;
	[dreg:$0x11] =	wrdreg s3  }
0x1f: {  	s7 =	simm.s32 $0x14000;
	s26 =	sadd.s32 s14, s0;
	[dreg:$0xc] =	wrdreg s22  }
0x20: {  	s0 =	sadd.s32 s15, s0;
	s25 =	sadd.s32 s11, s2;
	[dreg:$0xe] =	wrdreg s26  }
0x21: {  	s3 =	sadd.s32 $0xA0, s1;
	s22 =	sadd.s32 $0x4E2, s22;
	[dreg:$0xf] =	wrdreg s0  }
0x22: {  	s11 =	simm.s32 $0x168F0;
	s0 =	sadd.s32 s16, s2;
	[dreg:$0x13] =	wrdreg s22  }
0x23: {  	s26 =	sadd.s32 s12, s2;
	[dreg:$0x12] =	wrdreg s0;
	s0 =	sshrl.u32 s21, $0x3  }
0x24: {  	s12 =	simm.s32 $0x16940;
	s31 =	sadd.s32 s0, s15;
	s0 =	sadd.s32 s0, s14  }
.LBB2_1:
0x25: {  	s1 =	rddreg [dreg:$0x1]  }
0x26: {  	[tilespmem:s5], [sflag:$0x3] =	stream.linear.gather [hbm4b:s1+s4], $0x2800, $0x38;
	[tilespmem:$0x19140] =	vst v63  }
0x27: {  	_ =	swait.ge [sflag:s6], $0x2800  }
0x28: {  	[sflag:s6] =	ssyncset.done $0x0  }
0x29: {  	s20 =	rddreg [dreg:$0x12];
	[sflag:s6] =	ssyncadd.s32 $0xFFFFD800  }
0x2a: {  	[spmem:s20] =	stream.linear.scatter [tilespmem:s5], [sflag:$0x3], $0x2800, $0x38;
	[tilespmem:$0x19140] =	vst v63  }
0x2b: {  	_ =	swait.ge [sflag:s6], $0x2800  }
0x2c: {  	[sflag:s6] =	ssyncset.done $0x0  }
0x2d: {  	[sflag:s6] =	ssyncadd.s32 $0xFFFFD800  }
0x2e: {  	[spmem:s23] =	stream.linear.scatter [tilespmem:s5], [sflag:$0x3], $0x2800, $0x38;
	[tilespmem:$0x19140] =	vst v63  }
0x2f: {  	_ =	swait.ge [sflag:s6], $0x2800  }
0x30: {  	[sflag:s6] =	ssyncset.done $0x0  }
0x31: {  	[sflag:s6] =	ssyncadd.s32 $0xFFFFD800  }
0x32: {  	[spmem:s24] =	stream.linear.scatter [tilespmem:s5], [sflag:$0x3], $0x2800, $0x38;
	[tilespmem:$0x19140] =	vst v63  }
0x33: {  	_ =	swait.ge [sflag:s6], $0x2800  }
0x34: {  	[sflag:s6] =	ssyncset.done $0x0  }
0x35: {  	[sflag:s6] =	ssyncadd.s32 $0xFFFFD800  }
0x36: {  	[spmem:s25] =	stream.linear.scatter [tilespmem:s5], [sflag:$0x3], $0x2800, $0x38;
	[tilespmem:$0x19140] =	vst v63  }
0x37: {  	_ =	swait.ge [sflag:s6], $0x2800  }
0x38: {  	[sflag:s6] =	ssyncset.done $0x0  }
0x39: {  	[sflag:s6] =	ssyncadd.s32 $0xFFFFD800  }
0x3a: {  	[spmem:s26] =	stream.linear.scatter [tilespmem:s5], [sflag:$0x3], $0x2800, $0x38;
	[tilespmem:$0x19140] =	vst v63  }
0x3b: {  	_ =	swait.ge [sflag:s6], $0x2800  }
0x3c: {  	[sflag:s6] =	ssyncset.done $0x0  }
0x3d: {  	[sflag:s6] =	ssyncadd.s32 $0xFFFFD800  }
0x3e: {  	[spmem:s28] =	stream.linear.scatter [tilespmem:s5], [sflag:$0x3], $0x2800, $0x38;
	[tilespmem:$0x19140] =	vst v63  }
0x3f: {  	_ =	swait.ge [sflag:s6], $0x2800  }
0x40: {  	[sflag:s6] =	ssyncset.done $0x0  }
0x41: {  	[sflag:s6] =	ssyncadd.s32 $0xFFFFD800  }
0x42: {  	[spmem:s29] =	stream.linear.scatter [tilespmem:s5], [sflag:$0x3], $0x2800, $0x38;
	[tilespmem:$0x19140] =	vst v63  }
0x43: {  	_ =	swait.ge [sflag:s6], $0x2800  }
0x44: {  	[sflag:s6] =	ssyncset.done $0x0  }
0x45: {  	[sflag:s6] =	ssyncadd.s32 $0xFFFFD800  }
0x46: {  	[spmem:s30] =	stream.linear.scatter [tilespmem:s5], [sflag:$0x3], $0x2800, $0x38;
	[tilespmem:$0x19140] =	vst v63  }
0x47: {  	_ =	swait.ge [sflag:s6], $0x2800  }
0x48: {  	[sflag:s6] =	ssyncset.done $0x0  }
0x49: {  	[sflag:s6] =	ssyncadd.s32 $0xFFFFD800  }
0x4a: {  	[bflag:$0x0] =	sbarrier.arrive $0xFFFF  }
0x4b: {  	s21 =	rddreg [dreg:$0xc]  }
0x4c: {  	[tilespmem:s7], [sflag:$0x3] =	stream.linear.gather [hbm4b:s21+s4], $0x50, $0x38;
	[tilespmem:$0x19140] =	vst v63  }
0x4d: {  	_ =	swait.ge [sflag:s6], $0x50  }
0x4e: {  	[sflag:s6] =	ssyncset.done $0x0  }
0x4f: {  	s22 =	rddreg [dreg:$0xd];
	[sflag:s6] =	ssyncadd.s32 $0xFFFFFFB0  }
0x50: {  	[tilespmem:s8], [sflag:$0x3] =	stream.linear.gather [hbm4b:s22+s4], $0x50, $0x38;
	[tilespmem:$0x19140] =	vst v63  }
0x51: {  	_ =	swait.ge [sflag:s6], $0x50  }
0x52: {  	[sflag:s6] =	ssyncset.done $0x0  }
0x53: {  	[sflag:s6] =	ssyncadd.s32 $0xFFFFFFB0  }
0x54: {  	[tilespmem:s5], [sflag:$0x1] =	stream.indirect.gather [hbm4b:s13+s9], $0x80, s7, s9, $0xb8;
	[tilespmem:$0x19140] =	vst v63  }
0x55: {  	s16 =	rddreg [dreg:$0xe]  }
0x56: {  	[tilespmem:s10], [sflag:$0x3] =	stream.linear.gather [hbm4b:s16+s4], $0x50, $0x38;
	[tilespmem:$0x19140] =	vst v63  }
0x57: {  	_ =	swait.ge [sflag:s6], $0x50  }
0x58: {  	[sflag:s6] =	ssyncset.done $0x0  }
0x59: {  	s20 =	rddreg [dreg:$0xf];
	[sflag:s6] =	ssyncadd.s32 $0xFFFFFFB0  }
0x5a: {  	[tilespmem:s11], [sflag:$0x3] =	stream.linear.gather [hbm4b:s20+s4], $0x50, $0x38;
	[tilespmem:$0x19140] =	vst v63  }
0x5b: {  	_ =	swait.ge [sflag:s6], $0x50  }
0x5c: {  	[sflag:s6] =	ssyncset.done $0x0  }
0x5d: {  	[sflag:s6] =	ssyncadd.s32 $0xFFFFFFB0  }
0x5e: {  	[tilespmem:s12], [sflag:$0x2] =	stream.indirect.gather [hbm4b:s13+s9], $0x80, s10, s9, $0xb8;
	[tilespmem:$0x19140] =	vst v63  }
0x5f: {  	_ =	swait.ge [sflag:s17], $0x2800  }
0x60: {  	[sflag:s17] =	ssyncset.done $0x0  }
0x61: {  	[sflag:s17] =	ssyncadd.s32 $0xFFFFD800  }
0x62: {  	[spmem:s2] =	stream.indirect.scatter.add.f32 [tilespmem:s5], [sflag:$0x3], $0x80, s8, s9, $0xb8;
	[tilespmem:$0x19140] =	vst v63  }
0x63: {  	_ =	swait.ge [sflag:s6], $0x2800  }
0x64: {  	s20 =	sshrl.u32 s3, $0x3;
	[sflag:s6] =	ssyncset.done $0x0  }
0x65: {  	s21 =	sadd.s32 s14, s20;
	[sflag:s6] =	ssyncadd.s32 $0xFFFFD800  }
0x66: {  	[tilespmem:s7], [sflag:$0x3] =	stream.linear.gather [hbm4b:s21+s4], $0x50, $0x38;
	[tilespmem:$0x19140] =	vst v63  }
0x67: {  	_ =	swait.ge [sflag:s6], $0x50  }
0x68: {  	[sflag:s6] =	ssyncset.done $0x0  }
0x69: {  	s20 =	sadd.s32 s15, s20;
	[sflag:s6] =	ssyncadd.s32 $0xFFFFFFB0  }
0x6a: {  	[tilespmem:s8], [sflag:$0x3] =	stream.linear.gather [hbm4b:s20+s4], $0x50, $0x38;
	[tilespmem:$0x19140] =	vst v63  }
0x6b: {  	_ =	swait.ge [sflag:s6], $0x50  }
0x6c: {  	[sflag:s6] =	ssyncset.done $0x0  }
0x6d: {  	[sflag:s6] =	ssyncadd.s32 $0xFFFFFFB0  }
0x6e: {  	[tilespmem:s5], [sflag:$0x1] =	stream.indirect.gather [hbm4b:s13+s9], $0x80, s7, s9, $0xb8;
	[tilespmem:$0x19140] =	vst v63  }
0x6f: {  	_ =	swait.ge [sflag:s18], $0x2800  }
0x70: {  	[sflag:s18] =	ssyncset.done $0x0  }
0x71: {  	[sflag:s18] =	ssyncadd.s32 $0xFFFFD800  }
0x72: {  	[spmem:s2] =	stream.indirect.scatter.add.f32 [tilespmem:s12], [sflag:$0x3], $0x80, s11, s9, $0xb8;
	[tilespmem:$0x19140] =	vst v63  }
0x73: {  	_ =	swait.ge [sflag:s6], $0x2800  }
0x74: {  	[sflag:s6] =	ssyncset.done $0x0  }
0x75: {  	s21 =	sadd.s32 $0x0, s0;
	[sflag:s6] =	ssyncadd.s32 $0xFFFFD800  }
0x76: {  	[tilespmem:s10], [sflag:$0x3] =	stream.linear.gather [hbm4b:s21+s4], $0x50, $0x38;
	[tilespmem:$0x19140] =	vst v63  }
0x77: {  	_ =	swait.ge [sflag:s6], $0x50  }
0x78: {  	[sflag:s6] =	ssyncset.done $0x0  }
0x79: {  	s22 =	sadd.s32 $0x0, s31;
	[sflag:s6] =	ssyncadd.s32 $0xFFFFFFB0  }
0x7a: {  	[tilespmem:s11], [sflag:$0x3] =	stream.linear.gather [hbm4b:s22+s4], $0x50, $0x38;
	[tilespmem:$0x19140] =	vst v63  }
0x7b: {  	_ =	swait.ge [sflag:s6], $0x50  }
0x7c: {  	[sflag:s6] =	ssyncset.done $0x0  }
0x7d: {  	s20 =	simm.s32 $0x14;
	s21 =	sadd.s32 $0xA0, s3;
	[sflag:s6] =	ssyncadd.s32 $0xFFFFFFB0  }
.LBB2_2:
0x7e: {  	[tilespmem:s12], [sflag:$0x2] =	stream.indirect.gather [hbm4b:s13+s9], $0x80, s10, s9, $0xb8;
	[tilespmem:$0x19140] =	vst v63  }
0x7f: {  	s22 =	smov.u32 s20  }
0x80: {  	p0 =	sne.s32 s20, $0x4C4;
	s20 =	sadd.s32 $0x14, s20;
	_ =	swait.ge [sflag:s17], $0x2800  }
0x81: {  	[sflag:s17] =	ssyncset.done $0x0  }
0x82: {  	[sflag:s17] =	ssyncadd.s32 $0xFFFFD800  }
0x83: {  	[spmem:s2] =	stream.indirect.scatter.add.f32 [tilespmem:s5], [sflag:$0x3], $0x80, s8, s9, $0xb8;
	[tilespmem:$0x19140] =	vst v63  }
0x84: {  	_ =	swait.ge [sflag:s6], $0x2800  }
0x85: {  	s16 =	sshrl.u32 s21, $0x3;
	[sflag:s6] =	ssyncset.done $0x0  }
0x86: {  	s1 =	sadd.s32 s14, s16;
	[sflag:s6] =	ssyncadd.s32 $0xFFFFD800  }
0x87: {  	[tilespmem:s7], [sflag:$0x3] =	stream.linear.gather [hbm4b:s1+s4], $0x50, $0x38;
	[tilespmem:$0x19140] =	vst v63  }
0x88: {  	_ =	swait.ge [sflag:s6], $0x50  }
0x89: {  	[sflag:s6] =	ssyncset.done $0x0  }
0x8a: {  	s1 =	sadd.s32 s15, s16;
	[sflag:s6] =	ssyncadd.s32 $0xFFFFFFB0  }
0x8b: {  	[tilespmem:s8], [sflag:$0x3] =	stream.linear.gather [hbm4b:s1+s4], $0x50, $0x38;
	[tilespmem:$0x19140] =	vst v63  }
0x8c: {  	_ =	swait.ge [sflag:s6], $0x50  }
0x8d: {  	[sflag:s6] =	ssyncset.done $0x0  }
0x8e: {  	[sflag:s6] =	ssyncadd.s32 $0xFFFFFFB0  }
0x8f: {  	[tilespmem:s5], [sflag:$0x1] =	stream.indirect.gather [hbm4b:s13+s9], $0x80, s7, s9, $0xb8;
	[tilespmem:$0x19140] =	vst v63  }
0x90: {  	_ =	swait.ge [sflag:s18], $0x2800  }
0x91: {  	[sflag:s18] =	ssyncset.done $0x0  }
0x92: {  	[sflag:s18] =	ssyncadd.s32 $0xFFFFD800  }
0x93: {  	[spmem:s2] =	stream.indirect.scatter.add.f32 [tilespmem:s12], [sflag:$0x3], $0x80, s11, s9, $0xb8;
	[tilespmem:$0x19140] =	vst v63  }
0x94: {  	_ =	swait.ge [sflag:s6], $0x2800  }
0x95: {  	[sflag:s6] =	ssyncset.done $0x0  }
0x96: {  	s1 =	sadd.s32 s22, s0;
	[sflag:s6] =	ssyncadd.s32 $0xFFFFD800  }
0x97: {  	[tilespmem:s10], [sflag:$0x3] =	stream.linear.gather [hbm4b:s1+s4], $0x50, $0x38;
	[tilespmem:$0x19140] =	vst v63  }
0x98: {  	_ =	swait.ge [sflag:s6], $0x50  }
0x99: {  	[sflag:s6] =	ssyncset.done $0x0  }
.Ltmp0:
0x9a: {  	s1 =	sadd.s32 s22, s31;
	[sflag:s6] =	ssyncadd.s32 $0xFFFFFFB0;
	(pc) =	sbr.rel @p0 .LBB2_2-.Ltmp0, $4  }
0x9b: {  	[tilespmem:s11], [sflag:$0x3] =	stream.linear.gather [hbm4b:s1+s4], $0x50, $0x38;
	[tilespmem:$0x19140] =	vst v63  }
0x9c: {  	_ =	swait.ge [sflag:s6], $0x50  }
0x9d: {  	[sflag:s6] =	ssyncset.done $0x0  }
0x9e: {  	s21 =	sadd.s32 $0xA0, s21;
	[sflag:s6] =	ssyncadd.s32 $0xFFFFFFB0  }
0x9f: {  	[tilespmem:s12], [sflag:$0x2] =	stream.indirect.gather [hbm4b:s13+s9], $0x80, s10, s9, $0xb8;
	[tilespmem:$0x19140] =	vst v63  }
0xa0: {  	_ =	swait.ge [sflag:s17], $0x2800  }
0xa1: {  	[sflag:s17] =	ssyncset.done $0x0  }
0xa2: {  	[sflag:s17] =	ssyncadd.s32 $0xFFFFD800  }
0xa3: {  	[spmem:s2] =	stream.indirect.scatter.add.f32 [tilespmem:s5], [sflag:$0x3], $0x80, s8, s9, $0xb8;
	[tilespmem:$0x19140] =	vst v63  }
0xa4: {  	_ =	swait.ge [sflag:s6], $0x2800  }
0xa5: {  	[sflag:s6] =	ssyncset.done $0x0  }
0xa6: {  	s1 =	rddreg [dreg:$0x13];
	[sflag:s6] =	ssyncadd.s32 $0xFFFFD800  }
0xa7: {  	[tilespmem:s7], [sflag:$0x3] =	stream.linear.gather [hbm4b:s1+s4], $0x50, $0x38;
	[tilespmem:$0x19140] =	vst v63  }
0xa8: {  	_ =	swait.ge [sflag:s6], $0x50  }
0xa9: {  	[sflag:s6] =	ssyncset.done $0x0  }
0xaa: {  	[sflag:s6] =	ssyncadd.s32 $0xFFFFFFB0  }
0xab: {  	[tilespmem:s5], [sflag:$0x1] =	stream.indirect.gather [hbm4b:s13+s9], $0x80, s7, s9, $0xb8;
	[tilespmem:$0x19140] =	vst v63  }
0xac: {  	_ =	swait.ge [sflag:s17], $0x2800  }
0xad: {  	[sflag:s17] =	ssyncset.done $0x0  }
0xae: {  	[sflag:s17] =	ssyncadd.s32 $0xFFFFD800  }
0xaf: {  	_ =	swait.ge [sflag:s18], $0x2800  }
0xb0: {  	[sflag:s18] =	ssyncset.done $0x0  }
0xb1: {  	[sflag:s18] =	ssyncadd.s32 $0xFFFFD800  }
0xb2: {  	[bflag:$0x0] =	sbarrier.arrive $0xFFFF  }
0xb3: {  	s21 =	rddreg [dreg:$0x10]  }
0xb4: {  	[tilespmem:s5], [sflag:$0x3] =	stream.linear.gather [spmem:s21], $0x2800, $0x38;
	[tilespmem:$0x19140] =	vst v63  }
0xb5: {  	_ =	swait.ge [sflag:s6], $0x2800  }
0xb6: {  	[sflag:s6] =	ssyncset.done $0x0  }
0xb7: {  	s22 =	rddreg [dreg:$0x4];
	[sflag:s6] =	ssyncadd.s32 $0xFFFFD800  }
0xb8: {  	[hbm4b:s22+s4] =	stream.linear.scatter [tilespmem:s5], [sflag:$0x3], $0x2800, $0x38;
	[tilespmem:$0x19140] =	vst v63  }
0xb9: {  	_ =	swait.ge [sflag:s6], $0x2800  }
0xba: {  	[sflag:s6] =	ssyncset.done $0x0  }
0xbb: {  	[sflag:s6] =	ssyncadd.s32 $0xFFFFD800  }
0xbc: {  	[tilespmem:s5], [sflag:$0x3] =	stream.linear.gather [spmem:s23], $0x2800, $0x38;
	[tilespmem:$0x19140] =	vst v63  }
0xbd: {  	_ =	swait.ge [sflag:s6], $0x2800  }
0xbe: {  	[sflag:s6] =	ssyncset.done $0x0  }
0xbf: {  	s16 =	rddreg [dreg:$0x5];
	[sflag:s6] =	ssyncadd.s32 $0xFFFFD800  }
0xc0: {  	[hbm4b:s16+s4] =	stream.linear.scatter [tilespmem:s5], [sflag:$0x3], $0x2800, $0x38;
	[tilespmem:$0x19140] =	vst v63  }
0xc1: {  	_ =	swait.ge [sflag:s6], $0x2800  }
0xc2: {  	[sflag:s6] =	ssyncset.done $0x0  }
0xc3: {  	[sflag:s6] =	ssyncadd.s32 $0xFFFFD800  }
0xc4: {  	[tilespmem:s5], [sflag:$0x3] =	stream.linear.gather [spmem:s24], $0x2800, $0x38;
	[tilespmem:$0x19140] =	vst v63  }
0xc5: {  	_ =	swait.ge [sflag:s6], $0x2800  }
0xc6: {  	[sflag:s6] =	ssyncset.done $0x0  }
0xc7: {  	s20 =	rddreg [dreg:$0x6];
	[sflag:s6] =	ssyncadd.s32 $0xFFFFD800  }
0xc8: {  	[hbm4b:s20+s4] =	stream.linear.scatter [tilespmem:s5], [sflag:$0x3], $0x2800, $0x38;
	[tilespmem:$0x19140] =	vst v63  }
0xc9: {  	_ =	swait.ge [sflag:s6], $0x2800  }
0xca: {  	[sflag:s6] =	ssyncset.done $0x0  }
0xcb: {  	[sflag:s6] =	ssyncadd.s32 $0xFFFFD800  }
0xcc: {  	[tilespmem:s5], [sflag:$0x3] =	stream.linear.gather [spmem:s25], $0x2800, $0x38;
	[tilespmem:$0x19140] =	vst v63  }
0xcd: {  	_ =	swait.ge [sflag:s6], $0x2800  }
0xce: {  	[sflag:s6] =	ssyncset.done $0x0  }
0xcf: {  	s21 =	rddreg [dreg:$0x7];
	[sflag:s6] =	ssyncadd.s32 $0xFFFFD800  }
0xd0: {  	[hbm4b:s21+s4] =	stream.linear.scatter [tilespmem:s5], [sflag:$0x3], $0x2800, $0x38;
	[tilespmem:$0x19140] =	vst v63  }
0xd1: {  	_ =	swait.ge [sflag:s6], $0x2800  }
0xd2: {  	[sflag:s6] =	ssyncset.done $0x0  }
0xd3: {  	[sflag:s6] =	ssyncadd.s32 $0xFFFFD800  }
0xd4: {  	[tilespmem:s5], [sflag:$0x3] =	stream.linear.gather [spmem:s26], $0x2800, $0x38;
	[tilespmem:$0x19140] =	vst v63  }
0xd5: {  	_ =	swait.ge [sflag:s6], $0x2800  }
0xd6: {  	[sflag:s6] =	ssyncset.done $0x0  }
0xd7: {  	s22 =	rddreg [dreg:$0x8];
	[sflag:s6] =	ssyncadd.s32 $0xFFFFD800  }
0xd8: {  	[hbm4b:s22+s4] =	stream.linear.scatter [tilespmem:s5], [sflag:$0x3], $0x2800, $0x38;
	[tilespmem:$0x19140] =	vst v63  }
0xd9: {  	_ =	swait.ge [sflag:s6], $0x2800  }
0xda: {  	[sflag:s6] =	ssyncset.done $0x0  }
0xdb: {  	[sflag:s6] =	ssyncadd.s32 $0xFFFFD800  }
0xdc: {  	[tilespmem:s5], [sflag:$0x3] =	stream.linear.gather [spmem:s28], $0x2800, $0x38;
	[tilespmem:$0x19140] =	vst v63  }
0xdd: {  	_ =	swait.ge [sflag:s6], $0x2800  }
0xde: {  	[sflag:s6] =	ssyncset.done $0x0  }
0xdf: {  	s16 =	rddreg [dreg:$0x9];
	[sflag:s6] =	ssyncadd.s32 $0xFFFFD800  }
0xe0: {  	[hbm4b:s16+s4] =	stream.linear.scatter [tilespmem:s5], [sflag:$0x3], $0x2800, $0x38;
	[tilespmem:$0x19140] =	vst v63  }
0xe1: {  	_ =	swait.ge [sflag:s6], $0x2800  }
0xe2: {  	[sflag:s6] =	ssyncset.done $0x0  }
0xe3: {  	[sflag:s6] =	ssyncadd.s32 $0xFFFFD800  }
0xe4: {  	[tilespmem:s5], [sflag:$0x3] =	stream.linear.gather [spmem:s29], $0x2800, $0x38;
	[tilespmem:$0x19140] =	vst v63  }
0xe5: {  	_ =	swait.ge [sflag:s6], $0x2800  }
0xe6: {  	[sflag:s6] =	ssyncset.done $0x0  }
0xe7: {  	s20 =	rddreg [dreg:$0xa];
	[sflag:s6] =	ssyncadd.s32 $0xFFFFD800  }
0xe8: {  	[hbm4b:s20+s4] =	stream.linear.scatter [tilespmem:s5], [sflag:$0x3], $0x2800, $0x38;
	[tilespmem:$0x19140] =	vst v63  }
0xe9: {  	_ =	swait.ge [sflag:s6], $0x2800  }
0xea: {  	[sflag:s6] =	ssyncset.done $0x0  }
0xeb: {  	[sflag:s6] =	ssyncadd.s32 $0xFFFFD800  }
0xec: {  	[tilespmem:s5], [sflag:$0x3] =	stream.linear.gather [spmem:s30], $0x2800, $0x38;
	[tilespmem:$0x19140] =	vst v63  }
0xed: {  	_ =	swait.ge [sflag:s6], $0x2800  }
0xee: {  	[sflag:s6] =	ssyncset.done $0x0  }
0xef: {  	s21 =	rddreg [dreg:$0xb];
	[sflag:s6] =	ssyncadd.s32 $0xFFFFD800  }
0xf0: {  	[hbm4b:s21+s4] =	stream.linear.scatter [tilespmem:s5], [sflag:$0x3], $0x2800, $0x38;
	[tilespmem:$0x19140] =	vst v63  }
0xf1: {  	_ =	swait.ge [sflag:s6], $0x2800  }
0xf2: {  	s19 =	sadd.s32 $0x1, s19;
	s22 =	rddreg [dreg:$0x11]  }
0xf3: {  	p0 =	sne.s32 s19, s22  }
.Ltmp1:
0xf4: {  	_ = 	snop;
	(pc) =	sbr.rel @p0 .LBB2_1-.Ltmp1, $3  }
0xf5: {  	_ =	sdelay $0x1  }
0xf6: {  	[sflag:s6] =	ssyncset.done $0x0  }
0xf7: {  	[sflag:s6] =	ssyncadd.s32 $0xFFFFD800  }
0xf8: {  	_ =	sfence.sel $0x180000  }
0xf9: {  	[bflag:$0x0] =	sbarrier.arrive $0xFFFF  }
0xfa: {  	_ =	strace $0x9000004A  }
0xfb: {  	s0 =	stileid.u32;
	[bflag:$0x2] =	sbarrier.arrive $0xFFFF  }
0xfc: {  	p0 =	sne.s32 s0, $0x0;
	s0 =	rddreg [dreg:$0x3]  }
0xfd: {  	s0 =	sadd.s32 @!p0 $0x100000, s0  }
0xfe: {  	[sflag:s0] =	ssyncadd.tile.s32 @!p0 $0x1;
	_ =	shalt  }
.Lfunc_end2:
_tile_overlayer_lowered:
.L_overlay_start_2:
0xff: {  	(tag) =	ssettag $0x2  }
0x100: {  	s0 =	rddreg [dreg:$0x0];
	s2 =	stileid.u32  }
0x101: {  	s1 =	rddreg [dreg:$0x1];
	p0 =	sne.s32 s2, $0x0  }
0x102: {  	s3 =	rddreg [dreg:$0x2];
	[bflag:$0x3] =	sbarrier.arrive $0xFFFF;
	s2 =	simm.s32 @!p0 $0x1C03  }
0x103: {  	[timem:s3], [sflag:s2] =	dma.local @!p0 [hbm:s0], s1  }
0x104: {  	s0 =	simm.s32 @!p0 $0x3  }
0x105: {  	_ =	swait.ge @!p0 [sflag:s0], s1  }
0x106: {  	s1 =	ssub.s32 @!p0 $0x0, s1;
	[sflag:s0] =	ssyncset.done @!p0 $0x0  }
0x107: {  	[sflag:s0] =	ssyncadd.s32 @!p0 s1  }
0x108: {  	[bflag:$0x3] =	sbarrier.arrive $0xFFFF  }
0x109: {  	_ =	shalt  }

// kernel: kernel.14.cloned.1.call-start
scs
__scs_entry_jumppad:
0x0: {  	(pc) =	sbr.rel $0x88, $3  }
0x1: {  	(tag) =	ssettag $0x0;
	lr =	simm.s32 $0x1  }
0x2: {  	[smem:$0x3F97] =	sst lr;
	_ =	strace $0xD0000000  }
0x3: {  	_ = 	snop  }
0x4: {  	_ = 	snop  }
0x5: {  	_ = 	snop  }
0x6: {  	_ = 	snop  }
0x7: {  	_ = 	snop  }
__scs_overlays_trampoline_lowered:
0x8: {  	[smem:$0x3FA6] =	sst s0  }
0x9: {  	[smem:$0x3FA7] =	sst s1  }
0xa: {  	[smem:$0x3FA8] =	sst s2  }
0xb: {  	[smem:$0x3FA9] =	sst s3  }
0xc: {  	[smem:$0x3FAA] =	sst s4  }
0xd: {  	[smem:$0x3FAB] =	sst s5  }
0xe: {  	[smem:$0x3FAC] =	sst s6  }
0xf: {  	[smem:$0x3FAD] =	sst s7  }
0x10: {  	[smem:$0x3FAE] =	sst s8  }
0x11: {  	[smem:$0x3FAF] =	sst s9;
	s0 =	simm.s32 @!p0 $0x0  }
0x12: {  	s1 =	sld [smem:$0x3F95];
	s0 =	simm.s32 @p0 $0x1  }
0x13: {  	[smem:$0x3FB0] =	sst s0;
	s0 =	simm.s32 @!p1 $0x0  }
0x14: {  	s2 =	sld [smem:$0x3F94];
	s0 =	simm.s32 @p1 $0x1  }
0x15: {  	[smem:$0x3FB1] =	sst s0;
	s0 =	simm.s32 @!p2 $0x0  }
0x16: {  	s3 =	sld [smem:$0x3FDB];
	s0 =	simm.s32 @p2 $0x1  }
0x17: {  	s4 =	simm.s32 $0x1BF5;
	[smem:$0x3FB3] =	sst s0  }
0x18: {  	s0 =	sld [smem:$0x3F96];
	_ =	swait.ge [sflag:s4], $0x0  }
0x19: {  	s7 =	sld [smem:$0x3F97]  }
0x1a: {  	s8 =	sadd.s32 $0xFFFFE003, lr  }
0x1b: {  	s9 =	sadd.s32 $0xFFFFFEF7, lr;
	s5 =	simm.s32 $0xFFFFFFFF;
	p2 =	slt.u32 s8, $0xFFFFF086  }
0x1c: {  	p1 =	slt.u32 s9, $0xF7A;
	s5 =	simm.s32 @!p2 $0x0  }
0x1d: {  	s5 =	simm.s32 @p1 $0x1;
	p0 =	seq.s32 s7, s2  }
0x1e: {  	s7 =	smul.u32 @!p0 $0xF7A, s2;
	p2 =	seq.s32 @!p0 s5, $0x0  }
0x1f: {  	s9 =	smul.u32 $0xF7A, s1;
	s8 =	simm.s32 @!p0 $0x1BF5;
	p2 =	por !p2, p0  }
0x20: {  	[sflag:s8] =	ssyncset.s32 @!p0 $0xFFFFF086;
	s6 =	sadd.s32 @!p0 s3, s7;
	s7 =	simm.s32 @!p0 $0x108  }
0x21: {  	s3 =	sadd.s32 s3, s9;
	s6 =	sadd.s32 @!p0 $0x88, s6;
	s7 =	simm.s32 @p2 $0x1082  }
0x22: {  	[simem:s7], [sflag:s8] =	dma.local @!p0 [hbm:s6], $0xF7A  }
0x23: {  	s9 =	sor.u32 $0xD0000000, s2;
	s6 =	simm.s32 $0x108;
	_ =	swait.ge @!p0 [sflag:s8], $0x0  }
0x24: {  	s3 =	sadd.s32 $0x88, s3;
	s6 =	simm.s32 @!p1 $0x1082;
	[sflag:s4] =	ssyncset.s32 $0xFFFFF086  }
0x25: {  	[simem:s6], [sflag:s4] =	dma.local [hbm:s3], $0xF7A  }
0x26: {  	[smem:$0x3F97] =	sst s1;
	(tag) =	ssettag s2;
	_ =	strace s9  }
0x27: {  	s1 =	sld [smem:$0x3FA7]  }
0x28: {  	s2 =	sld [smem:$0x3FA8]  }
0x29: {  	s4 =	sld [smem:$0x3FAA]  }
0x2a: {  	p0 =	seq.s32 s5, $0x0;
	s5 =	sld [smem:$0x3FAB]  }
0x2b: {  	s6 =	sld [smem:$0x3FAC]  }
0x2c: {  	s7 =	sld [smem:$0x3FAD]  }
0x2d: {  	s3 =	simm.s32 $0x108;
	s8 =	sld [smem:$0x3FAE]  }
0x2e: {  	s3 =	simm.s32 @!p0 $0x1082;
	s9 =	sld [smem:$0x3FAF]  }
0x2f: {  	lr =	sadd.s32 s0, s3;
	s0 =	sld [smem:$0x3FA6]  }
0x30: {  	s3 =	sld [smem:$0x3FA9]  }
0x31: {  	[smem:$0x3FB2] =	sst s10  }
0x32: {  	s10 =	sld [smem:$0x3FB0];
	_ =	sdelay $0x3  }
0x33: {  	p0 =	seq.s32 s10, $0x1;
	s10 =	sld [smem:$0x3FB2];
	_ =	sdelay $0x3  }
0x34: {  	[smem:$0x3FB2] =	sst s10  }
0x35: {  	s10 =	sld [smem:$0x3FB1];
	_ =	sdelay $0x3  }
0x36: {  	p1 =	seq.s32 s10, $0x1;
	s10 =	sld [smem:$0x3FB2];
	_ =	sdelay $0x3  }
0x37: {  	[smem:$0x3FB2] =	sst s10  }
0x38: {  	s10 =	sld [smem:$0x3FB3]  }
0x39: {  	_ = 	snop;
	(pc) =	sbr.ind lr, $3  }
0x3a: {  	_ = 	snop  }
0x3b: {  	_ = 	snop  }
0x3c: {  	p2 =	seq.s32 s10, $0x1;
	s10 =	sld [smem:$0x3FB2]  }
0x3d: {  	_ =	shalt  }
0x3e: {  	_ =	shalt  }
0x3f: {  	_ =	shalt  }
0x40: {  	_ =	shalt  }
0x41: {  	_ =	shalt  }
0x42: {  	_ =	shalt  }
0x43: {  	_ =	shalt  }
0x44: {  	_ =	shalt  }
0x45: {  	_ =	shalt  }
0x46: {  	_ =	shalt  }
0x47: {  	_ =	shalt  }
0x48: {  	_ =	shalt  }
0x49: {  	_ =	shalt  }
0x4a: {  	_ =	shalt  }
0x4b: {  	_ =	shalt  }
0x4c: {  	_ =	shalt  }
0x4d: {  	_ =	shalt  }
0x4e: {  	_ =	shalt  }
0x4f: {  	_ =	shalt  }
0x50: {  	_ =	shalt  }
0x51: {  	_ =	shalt  }
0x52: {  	_ =	shalt  }
0x53: {  	_ =	shalt  }
0x54: {  	_ =	shalt  }
0x55: {  	_ =	shalt  }
0x56: {  	_ =	shalt  }
0x57: {  	_ =	shalt  }
0x58: {  	_ =	shalt  }
0x59: {  	_ =	shalt  }
0x5a: {  	_ =	shalt  }
0x5b: {  	_ =	shalt  }
0x5c: {  	_ =	shalt  }
0x5d: {  	_ =	shalt  }
0x5e: {  	_ =	shalt  }
0x5f: {  	_ =	shalt  }
0x60: {  	_ =	shalt  }
0x61: {  	_ =	shalt  }
0x62: {  	_ =	shalt  }
0x63: {  	_ =	shalt  }
0x64: {  	_ =	shalt  }
0x65: {  	_ =	shalt  }
0x66: {  	_ =	shalt  }
0x67: {  	_ =	shalt  }
0x68: {  	_ =	shalt  }
0x69: {  	_ =	shalt  }
0x6a: {  	_ =	shalt  }
0x6b: {  	_ =	shalt  }
0x6c: {  	_ =	shalt  }
0x6d: {  	_ =	shalt  }
0x6e: {  	_ =	shalt  }
0x6f: {  	_ =	shalt  }
0x70: {  	_ =	shalt  }
0x71: {  	_ =	shalt  }
0x72: {  	_ =	shalt  }
0x73: {  	_ =	shalt  }
0x74: {  	_ =	shalt  }
0x75: {  	_ =	shalt  }
0x76: {  	_ =	shalt  }
0x77: {  	_ =	shalt  }
0x78: {  	_ =	shalt  }
0x79: {  	_ =	shalt  }
0x7a: {  	_ =	shalt  }
0x7b: {  	_ =	shalt  }
0x7c: {  	_ =	shalt  }
0x7d: {  	_ =	shalt  }
0x7e: {  	_ =	shalt  }
0x7f: {  	_ =	shalt  }
0x80: {  	_ =	shalt  }
0x81: {  	_ =	shalt  }
0x82: {  	_ =	shalt  }
0x83: {  	_ =	shalt  }
0x84: {  	_ =	shalt  }
0x85: {  	_ =	shalt  }
0x86: {  	_ =	shalt  }
0x87: {  	_ =	shalt  }
.Lfunc_end0:
.L_simem_size_0:
called_computation.2_lowered:
.L_overlay_start_0:
0x88: {  	s2 =	sld [smem:$0x3FD9]  }
0x89: {  	s3 =	sld [smem:$0x3FFE];
	_ =	sdelay $0x1  }
0x8a: {  	s1 =	srdreg.scid  }
0x8b: {  	s0 =	sand.u32 $0x1, s1  }
0x8c: {  	s17 =	sshll.u32 s0, $0xA;
	s2 =	sadd.s32 s3, s2  }
0x8d: {  	s2 =	sadd.s32 s2, s17  }
0x8e: {  	[smem:$0x3FBE] =	sst s2  }
0x8f: {  	_ = 	snop  }
0x90: {  	s2 =	sld [smem:$0x3FD0];
	(tm) =	ssettm $0x1  }
0x91: {  	s18 =	sld [smem:$0x3FFB];
	_ =	sdelay $0x3  }
0x92: {  	_ =	strace s18  }
0x93: {  	s3 =	sld [smem:$0x3FFC];
	_ =	sdelay $0x3  }
0x94: {  	_ =	strace s3  }
0x95: {  	s3 =	sld [smem:$0x3FFD];
	_ =	sdelay $0x3  }
0x96: {  	_ =	strace s3  }
0x97: {  	_ =	strace $0x8FFFFFFF  }
0x98: {  	s19 =	sld [smem:$0x3FDB];
	_ =	sdelay $0x1  }
0x99: {  	s4 =	simm.s32 $_scs_section_size  }
0x9a: {  	s5 =	simm.s32 $_size__tile_overlayer_lowered;
	s6 =	simm.s32 $_tile_overlayer_lowered  }
0x9b: {  	s22 =	simm.s32 $0x1BFF;
	s21 =	sshll.u32 s6, $0x1;
	s3 =	sadd.s32 s4, s19  }
0x9c: {  	s7 =	simm.s32 $0x0;
	s20 =	sshll.u32 s5, $0x1;
	s5 =	sadd.s32 s21, s3  }
0x9d: {  	[timem:s7], [sflag:s22] =	dma.local [hbm:s5], s20  }
0x9e: {  	_ =	swait.ge [sflag:s22], s20  }
0x9f: {  	s4 =	ssub.s32 $0x0, s20;
	[sflag:s22] =	ssyncset.done $0x0  }
0xa0: {  	[sflag:s22] =	ssyncadd.s32 s4;
	_ =	sdelay $0x1  }
0xa1: {  	s23 =	simm.s32 $0x1B8B  }
0xa2: {  	_ =	swait.ge [sflag:s23], $0x1  }
0xa3: {  	[sflag:s23] =	ssyncset.done $0x0  }
0xa4: {  	s25 =	simm.s32 $0x1B8E;
	s24 =	sld [smem:$0x3FFE];
	[sflag:s23] =	ssyncadd.s32 $0xFFFFFFFF  }
0xa5: {  	s26 =	simm.s32 $execute0_lowered;
	[smem:$0x3FD2] =	sst s25  }
0xa6: {  	s5 =	sshll.u32 s26, $0x1;
	_ =	strace $0x8000004C;
	[dreg:$0x1] =	wrdreg $0xFFFFFFFF  }
0xa7: {  	s28 =	simm.s32 $_size_execute0_lowered;
	s3 =	sadd.s32 s3, s5;
	[dreg:$0x0] =	wrdreg $0x0  }
0xa8: {  	s5 =	sshll.u32 s28, $0x1;
	[dreg:$0x2] =	wrdreg s3  }
0xa9: {  	[dreg:$0x3] =	wrdreg s5  }
0xaa: {  	[dreg:$0x4] =	wrdreg $0xC0  }
0xab: {  	_ =	task [dreg:s7], $0x5FFFF  }
0xac: {  	[dreg:$0x1] =	wrdreg $0xFFFFFFFF  }
0xad: {  	[dreg:$0x0] =	wrdreg $0x60  }
0xae: {  	[dreg:$0x2] =	wrdreg s24  }
0xaf: {  	[dreg:$0x3] =	wrdreg s2  }
0xb0: {  	[dreg:$0x4] =	wrdreg $0x0  }
0xb1: {  	[dreg:$0x5] =	wrdreg $0x9  }
0xb2: {  	_ =	task.clear_ibuf [dreg:s7], $0x6FFFF;
	_ =	strace $0x9000004C  }
0xb3: {  	s29 =	simm.s32 $0x9;
	_ =	strace $0x8000004E  }
0xb4: {  	_ =	swait.ge [sflag:s29], $0x1  }
0xb5: {  	[sflag:s29] =	ssyncadd.s32 $0xFFFFFFFF  }
0xb6: {  	_ =	strace $0x9000004E  }
0xb7: {  	_ =	sfence  }
0xb8: {  	s30 =	sld [smem:$0x0];
	_ =	sdelay $0x2  }
0xb9: {  	s31 =	sshll.u32 s1, $0xD;
	s1 =	sshrl.u32 s1, $0x2  }
0xba: {  	s3 =	sand.u32 $0x4000, s31;
	s1 =	sadd.s32 s1, s30  }
0xbb: {  	s0 =	sor.u32 s3, s0;
	s1 =	sshll.u32 s1, $0x11  }
0xbc: {  	s0 =	sor.u32 s1, s0  }
0xbd: {  	s0 =	sadd.s32 $0x8F2B, s0  }
0xbe: {  	[sflag:s0] =	ssyncadd.remote.s32 $0x1  }
0xbf: {  	_ =	sfence.sel $0xFFFF  }
0xc0: {  	[dreg:$0x0] =	wrdreg $0xFFFFFFFF;
	(pc) =	sbr.abs _section_cstart, $3  }
0xc1: {  	[dreg:$0x1] =	wrdreg $0xFFFFFFFF  }
0xc2: {  	_ =	task.clear_ibuf [dreg:s7], $0x2FFFF;
	_ =	strace $0x9FFFFFFF  }
0xc3: {  	(tm) =	ssettm $0x7FFFFFFF  }
tec
execute0_lowered:
.L_overlay_start_1:
0x0: {  	(tag) =	ssettag $0x1  }
0x1: {  	s0 =	rddreg [dreg:$0x0]  }
0x2: {  	s2 =	rddreg [dreg:$0x2];
	s1 =	srdreg.scid  }
0x3: {  	s4 =	simm.s32 $0x0;
	s16 =	stileid.u32;
	s1 =	sand.u32 $0x1, s1  }
0x4: {  	[smem:$0x7FF] =	sst s4;
	s7 =	smul.u32 $0xA000, s16;
	s3 =	ssub.s32 $0x2, s1  }
0x5: {  	s8 =	sadd.s32 $0x34400, s0;
	s6 =	sshll.u32 s1, $0x4;
	s5 =	sshrl.u32 s3, $0x1  }
0x6: {  	s9 =	sor.u32 $0x1400, s7;
	s10 =	sadd.s32 $0x2800, s7;
	s11 =	sadd.s32 $0x3C00, s7  }
0x7: {  	s12 =	sadd.s32 $0x5000, s7;
	s17 =	sadd.s32 $0x6400, s7;
	s18 =	sadd.s32 $0x7800, s7  }
0x8: {  	s3 =	ssub.s32 s3, s5;
	s5 =	sor.u32 s16, s6;
	s6 =	smul.u32 $0xA0000, s1  }
0x9: {  	s19 =	sadd.s32 $0x8C00, s7;
	s1 =	smul.u32 $0x27100, s1;
	s28 =	sadd.s32 s17, s2  }
0xa: {  	s29 =	sadd.s32 s18, s2;
	s30 =	sadd.s32 s19, s2;
	s5 =	smul.u32 $0x2710, s5  }
0xb: {  	s3 =	smax.u32 s3, $0x1;
	s13 =	sadd.s32 s6, s7;
	s14 =	sadd.s32 s6, s9  }
0xc: {  	s15 =	sadd.s32 s6, s10;
	s21 =	sadd.s32 s6, s11;
	s22 =	sadd.s32 s6, s12  }
0xd: {  	s23 =	sadd.s32 s6, s17;
	s17 =	simm.s32 $0x1;
	s13 =	sshrl.u32 s13, $0x3  }
0xe: {  	s14 =	sshrl.u32 s14, $0x3;
	s15 =	sshrl.u32 s15, $0x3;
	s24 =	sshrl.u32 s22, $0x3  }
0xf: {  	s25 =	sshrl.u32 s23, $0x3;
	s23 =	sadd.s32 s9, s2;
	s13 =	sadd.s32 s8, s13  }
0x10: {  	s9 =	simm.s32 $0x50;
	s20 =	sadd.s32 s8, s15;
	[dreg:$0x4] =	wrdreg s13  }
0x11: {  	s26 =	sadd.s32 s8, s25;
	s15 =	smul.u32 $0x2710, s16;
	[dreg:$0x6] =	wrdreg s20  }
0x12: {  	s13 =	sadd.s32 s8, s14;
	[dreg:$0x9] =	wrdreg s26;
	s14 =	sadd.s32 s6, s18  }
0x13: {  	s6 =	sadd.s32 s6, s19;
	s20 =	sshrl.u32 s5, $0x3;
	s5 =	simm.s32 $0xA0A0  }
0x14: {  	s18 =	simm.s32 $0x2;
	s19 =	simm.s32 $0x0;
	[dreg:$0x5] =	wrdreg s13  }
0x15: {  	s13 =	sshrl.u32 s21, $0x3;
	s6 =	sshrl.u32 s6, $0x3;
	s1 =	sadd.s32 s15, s1  }
0x16: {  	s15 =	sadd.s32 $0xCE00, s0;
	s21 =	smul.u32 $0x28000, s16;
	s13 =	sadd.s32 s8, s13  }
0x17: {  	s6 =	sadd.s32 s8, s6;
	s25 =	sadd.s32 s15, s20;
	[dreg:$0x7] =	wrdreg s13  }
0x18: {  	s13 =	sadd.s32 s8, s24;
	[dreg:$0xb] =	wrdreg s6;
	s16 =	sshrl.u32 s21, $0x2  }
0x19: {  	[dreg:$0x8] =	wrdreg s13;
	s13 =	sshrl.u32 s14, $0x3;
	s14 =	sadd.s32 $0x16C00, s0  }
0x1a: {  	s24 =	sadd.s32 s10, s2;
	s13 =	sadd.s32 s8, s13;
	s22 =	sadd.s32 s14, s20  }
0x1b: {  	[dreg:$0xa] =	wrdreg s13;
	s13 =	sadd.s32 $0x20A00, s0;
	s0 =	sadd.s32 $0xA, s20  }
0x1c: {  	s20 =	sadd.s32 s7, s2;
	_ =	strace $0x8000004D;
	[dreg:$0xd] =	wrdreg s25  }
0x1d: {  	s21 =	sadd.s32 $0xF0, s1;
	s6 =	simm.s32 $0x3;
	[dreg:$0x10] =	wrdreg s20  }
0x1e: {  	s10 =	simm.s32 $0xB4A0;
	s8 =	simm.s32 $0xA050;
	[dreg:$0x11] =	wrdreg s3  }
0x1f: {  	s7 =	simm.s32 $0xA000;
	s26 =	sadd.s32 s14, s0;
	[dreg:$0xc] =	wrdreg s22  }
0x20: {  	s0 =	sadd.s32 s15, s0;
	s25 =	sadd.s32 s11, s2;
	[dreg:$0xe] =	wrdreg s26  }
0x21: {  	s3 =	sadd.s32 $0xA0, s1;
	s22 =	sadd.s32 $0x4E2, s22;
	[dreg:$0xf] =	wrdreg s0  }
0x22: {  	s11 =	simm.s32 $0xB4F0;
	s0 =	sadd.s32 s16, s2;
	[dreg:$0x13] =	wrdreg s22  }
0x23: {  	s26 =	sadd.s32 s12, s2;
	[dreg:$0x12] =	wrdreg s0;
	s0 =	sshrl.u32 s21, $0x3  }
0x24: {  	s12 =	simm.s32 $0xB540;
	s31 =	sadd.s32 s0, s15;
	s0 =	sadd.s32 s0, s14  }
.LBB2_1:
0x25: {  	s1 =	rddreg [dreg:$0x1]  }
0x26: {  	[tilespmem:s5], [sflag:$0x3] =	stream.linear.gather [hbm4b:s1+s4], $0x1400, $0x38;
	[tilespmem:$0xC940] =	vst v63  }
0x27: {  	_ =	swait.ge [sflag:s6], $0x1400  }
0x28: {  	[sflag:s6] =	ssyncset.done $0x0  }
0x29: {  	s20 =	rddreg [dreg:$0x12];
	[sflag:s6] =	ssyncadd.s32 $0xFFFFEC00  }
0x2a: {  	[spmem:s20] =	stream.linear.scatter [tilespmem:s5], [sflag:$0x3], $0x1400, $0x38;
	[tilespmem:$0xC940] =	vst v63  }
0x2b: {  	_ =	swait.ge [sflag:s6], $0x1400  }
0x2c: {  	[sflag:s6] =	ssyncset.done $0x0  }
0x2d: {  	[sflag:s6] =	ssyncadd.s32 $0xFFFFEC00  }
0x2e: {  	[spmem:s23] =	stream.linear.scatter [tilespmem:s5], [sflag:$0x3], $0x1400, $0x38;
	[tilespmem:$0xC940] =	vst v63  }
0x2f: {  	_ =	swait.ge [sflag:s6], $0x1400  }
0x30: {  	[sflag:s6] =	ssyncset.done $0x0  }
0x31: {  	[sflag:s6] =	ssyncadd.s32 $0xFFFFEC00  }
0x32: {  	[spmem:s24] =	stream.linear.scatter [tilespmem:s5], [sflag:$0x3], $0x1400, $0x38;
	[tilespmem:$0xC940] =	vst v63  }
0x33: {  	_ =	swait.ge [sflag:s6], $0x1400  }
0x34: {  	[sflag:s6] =	ssyncset.done $0x0  }
0x35: {  	[sflag:s6] =	ssyncadd.s32 $0xFFFFEC00  }
0x36: {  	[spmem:s25] =	stream.linear.scatter [tilespmem:s5], [sflag:$0x3], $0x1400, $0x38;
	[tilespmem:$0xC940] =	vst v63  }
0x37: {  	_ =	swait.ge [sflag:s6], $0x1400  }
0x38: {  	[sflag:s6] =	ssyncset.done $0x0  }
0x39: {  	[sflag:s6] =	ssyncadd.s32 $0xFFFFEC00  }
0x3a: {  	[spmem:s26] =	stream.linear.scatter [tilespmem:s5], [sflag:$0x3], $0x1400, $0x38;
	[tilespmem:$0xC940] =	vst v63  }
0x3b: {  	_ =	swait.ge [sflag:s6], $0x1400  }
0x3c: {  	[sflag:s6] =	ssyncset.done $0x0  }
0x3d: {  	[sflag:s6] =	ssyncadd.s32 $0xFFFFEC00  }
0x3e: {  	[spmem:s28] =	stream.linear.scatter [tilespmem:s5], [sflag:$0x3], $0x1400, $0x38;
	[tilespmem:$0xC940] =	vst v63  }
0x3f: {  	_ =	swait.ge [sflag:s6], $0x1400  }
0x40: {  	[sflag:s6] =	ssyncset.done $0x0  }
0x41: {  	[sflag:s6] =	ssyncadd.s32 $0xFFFFEC00  }
0x42: {  	[spmem:s29] =	stream.linear.scatter [tilespmem:s5], [sflag:$0x3], $0x1400, $0x38;
	[tilespmem:$0xC940] =	vst v63  }
0x43: {  	_ =	swait.ge [sflag:s6], $0x1400  }
0x44: {  	[sflag:s6] =	ssyncset.done $0x0  }
0x45: {  	[sflag:s6] =	ssyncadd.s32 $0xFFFFEC00  }
0x46: {  	[spmem:s30] =	stream.linear.scatter [tilespmem:s5], [sflag:$0x3], $0x1400, $0x38;
	[tilespmem:$0xC940] =	vst v63  }
0x47: {  	_ =	swait.ge [sflag:s6], $0x1400  }
0x48: {  	[sflag:s6] =	ssyncset.done $0x0  }
0x49: {  	[sflag:s6] =	ssyncadd.s32 $0xFFFFEC00  }
0x4a: {  	[bflag:$0x0] =	sbarrier.arrive $0xFFFF  }
0x4b: {  	s21 =	rddreg [dreg:$0xc]  }
0x4c: {  	[tilespmem:s7], [sflag:$0x3] =	stream.linear.gather [hbm4b:s21+s4], $0x50, $0x38;
	[tilespmem:$0xC940] =	vst v63  }
0x4d: {  	_ =	swait.ge [sflag:s6], $0x50  }
0x4e: {  	[sflag:s6] =	ssyncset.done $0x0  }
0x4f: {  	s22 =	rddreg [dreg:$0xd];
	[sflag:s6] =	ssyncadd.s32 $0xFFFFFFB0  }
0x50: {  	[tilespmem:s8], [sflag:$0x3] =	stream.linear.gather [hbm4b:s22+s4], $0x50, $0x38;
	[tilespmem:$0xC940] =	vst v63  }
0x51: {  	_ =	swait.ge [sflag:s6], $0x50  }
0x52: {  	[sflag:s6] =	ssyncset.done $0x0  }
0x53: {  	[sflag:s6] =	ssyncadd.s32 $0xFFFFFFB0  }
0x54: {  	[tilespmem:s5], [sflag:$0x1] =	stream.indirect.gather [hbm4b:s13+s9], $0x40, s7, s9, $0xb8;
	[tilespmem:$0xC940] =	vst v63  }
0x55: {  	s16 =	rddreg [dreg:$0xe]  }
0x56: {  	[tilespmem:s10], [sflag:$0x3] =	stream.linear.gather [hbm4b:s16+s4], $0x50, $0x38;
	[tilespmem:$0xC940] =	vst v63  }
0x57: {  	_ =	swait.ge [sflag:s6], $0x50  }
0x58: {  	[sflag:s6] =	ssyncset.done $0x0  }
0x59: {  	s20 =	rddreg [dreg:$0xf];
	[sflag:s6] =	ssyncadd.s32 $0xFFFFFFB0  }
0x5a: {  	[tilespmem:s11], [sflag:$0x3] =	stream.linear.gather [hbm4b:s20+s4], $0x50, $0x38;
	[tilespmem:$0xC940] =	vst v63  }
0x5b: {  	_ =	swait.ge [sflag:s6], $0x50  }
0x5c: {  	[sflag:s6] =	ssyncset.done $0x0  }
0x5d: {  	[sflag:s6] =	ssyncadd.s32 $0xFFFFFFB0  }
0x5e: {  	[tilespmem:s12], [sflag:$0x2] =	stream.indirect.gather [hbm4b:s13+s9], $0x40, s10, s9, $0xb8;
	[tilespmem:$0xC940] =	vst v63  }
0x5f: {  	_ =	swait.ge [sflag:s17], $0x1400  }
0x60: {  	[sflag:s17] =	ssyncset.done $0x0  }
0x61: {  	[sflag:s17] =	ssyncadd.s32 $0xFFFFEC00  }
0x62: {  	[spmem:s2] =	stream.indirect.scatter.add.f32 [tilespmem:s5], [sflag:$0x3], $0x40, s8, s9, $0xb8;
	[tilespmem:$0xC940] =	vst v63  }
0x63: {  	_ =	swait.ge [sflag:s6], $0x1400  }
0x64: {  	s20 =	sshrl.u32 s3, $0x3;
	[sflag:s6] =	ssyncset.done $0x0  }
0x65: {  	s21 =	sadd.s32 s14, s20;
	[sflag:s6] =	ssyncadd.s32 $0xFFFFEC00  }
0x66: {  	[tilespmem:s7], [sflag:$0x3] =	stream.linear.gather [hbm4b:s21+s4], $0x50, $0x38;
	[tilespmem:$0xC940] =	vst v63  }
0x67: {  	_ =	swait.ge [sflag:s6], $0x50  }
0x68: {  	[sflag:s6] =	ssyncset.done $0x0  }
0x69: {  	s20 =	sadd.s32 s15, s20;
	[sflag:s6] =	ssyncadd.s32 $0xFFFFFFB0  }
0x6a: {  	[tilespmem:s8], [sflag:$0x3] =	stream.linear.gather [hbm4b:s20+s4], $0x50, $0x38;
	[tilespmem:$0xC940] =	vst v63  }
0x6b: {  	_ =	swait.ge [sflag:s6], $0x50  }
0x6c: {  	[sflag:s6] =	ssyncset.done $0x0  }
0x6d: {  	[sflag:s6] =	ssyncadd.s32 $0xFFFFFFB0  }
0x6e: {  	[tilespmem:s5], [sflag:$0x1] =	stream.indirect.gather [hbm4b:s13+s9], $0x40, s7, s9, $0xb8;
	[tilespmem:$0xC940] =	vst v63  }
0x6f: {  	_ =	swait.ge [sflag:s18], $0x1400  }
0x70: {  	[sflag:s18] =	ssyncset.done $0x0  }
0x71: {  	[sflag:s18] =	ssyncadd.s32 $0xFFFFEC00  }
0x72: {  	[spmem:s2] =	stream.indirect.scatter.add.f32 [tilespmem:s12], [sflag:$0x3], $0x40, s11, s9, $0xb8;
	[tilespmem:$0xC940] =	vst v63  }
0x73: {  	_ =	swait.ge [sflag:s6], $0x1400  }
0x74: {  	[sflag:s6] =	ssyncset.done $0x0  }
0x75: {  	s21 =	sadd.s32 $0x0, s0;
	[sflag:s6] =	ssyncadd.s32 $0xFFFFEC00  }
0x76: {  	[tilespmem:s10], [sflag:$0x3] =	stream.linear.gather [hbm4b:s21+s4], $0x50, $0x38;
	[tilespmem:$0xC940] =	vst v63  }
0x77: {  	_ =	swait.ge [sflag:s6], $0x50  }
0x78: {  	[sflag:s6] =	ssyncset.done $0x0  }
0x79: {  	s22 =	sadd.s32 $0x0, s31;
	[sflag:s6] =	ssyncadd.s32 $0xFFFFFFB0  }
0x7a: {  	[tilespmem:s11], [sflag:$0x3] =	stream.linear.gather [hbm4b:s22+s4], $0x50, $0x38;
	[tilespmem:$0xC940] =	vst v63  }
0x7b: {  	_ =	swait.ge [sflag:s6], $0x50  }
0x7c: {  	[sflag:s6] =	ssyncset.done $0x0  }
0x7d: {  	s20 =	simm.s32 $0x14;
	s21 =	sadd.s32 $0xA0, s3;
	[sflag:s6] =	ssyncadd.s32 $0xFFFFFFB0  }
.LBB2_2:
0x7e: {  	[tilespmem:s12], [sflag:$0x2] =	stream.indirect.gather [hbm4b:s13+s9], $0x40, s10, s9, $0xb8;
	[tilespmem:$0xC940] =	vst v63  }
0x7f: {  	s22 =	smov.u32 s20  }
0x80: {  	p0 =	sne.s32 s20, $0x4C4;
	s20 =	sadd.s32 $0x14, s20;
	_ =	swait.ge [sflag:s17], $0x1400  }
0x81: {  	[sflag:s17] =	ssyncset.done $0x0  }
0x82: {  	[sflag:s17] =	ssyncadd.s32 $0xFFFFEC00  }
0x83: {  	[spmem:s2] =	stream.indirect.scatter.add.f32 [tilespmem:s5], [sflag:$0x3], $0x40, s8, s9, $0xb8;
	[tilespmem:$0xC940] =	vst v63  }
0x84: {  	_ =	swait.ge [sflag:s6], $0x1400  }
0x85: {  	s16 =	sshrl.u32 s21, $0x3;
	[sflag:s6] =	ssyncset.done $0x0  }
0x86: {  	s1 =	sadd.s32 s14, s16;
	[sflag:s6] =	ssyncadd.s32 $0xFFFFEC00  }
0x87: {  	[tilespmem:s7], [sflag:$0x3] =	stream.linear.gather [hbm4b:s1+s4], $0x50, $0x38;
	[tilespmem:$0xC940] =	vst v63  }
0x88: {  	_ =	swait.ge [sflag:s6], $0x50  }
0x89: {  	[sflag:s6] =	ssyncset.done $0x0  }
0x8a: {  	s1 =	sadd.s32 s15, s16;
	[sflag:s6] =	ssyncadd.s32 $0xFFFFFFB0  }
0x8b: {  	[tilespmem:s8], [sflag:$0x3] =	stream.linear.gather [hbm4b:s1+s4], $0x50, $0x38;
	[tilespmem:$0xC940] =	vst v63  }
0x8c: {  	_ =	swait.ge [sflag:s6], $0x50  }
0x8d: {  	[sflag:s6] =	ssyncset.done $0x0  }
0x8e: {  	[sflag:s6] =	ssyncadd.s32 $0xFFFFFFB0  }
0x8f: {  	[tilespmem:s5], [sflag:$0x1] =	stream.indirect.gather [hbm4b:s13+s9], $0x40, s7, s9, $0xb8;
	[tilespmem:$0xC940] =	vst v63  }
0x90: {  	_ =	swait.ge [sflag:s18], $0x1400  }
0x91: {  	[sflag:s18] =	ssyncset.done $0x0  }
0x92: {  	[sflag:s18] =	ssyncadd.s32 $0xFFFFEC00  }
0x93: {  	[spmem:s2] =	stream.indirect.scatter.add.f32 [tilespmem:s12], [sflag:$0x3], $0x40, s11, s9, $0xb8;
	[tilespmem:$0xC940] =	vst v63  }
0x94: {  	_ =	swait.ge [sflag:s6], $0x1400  }
0x95: {  	[sflag:s6] =	ssyncset.done $0x0  }
0x96: {  	s1 =	sadd.s32 s22, s0;
	[sflag:s6] =	ssyncadd.s32 $0xFFFFEC00  }
0x97: {  	[tilespmem:s10], [sflag:$0x3] =	stream.linear.gather [hbm4b:s1+s4], $0x50, $0x38;
	[tilespmem:$0xC940] =	vst v63  }
0x98: {  	_ =	swait.ge [sflag:s6], $0x50  }
0x99: {  	[sflag:s6] =	ssyncset.done $0x0  }
.Ltmp0:
0x9a: {  	s1 =	sadd.s32 s22, s31;
	[sflag:s6] =	ssyncadd.s32 $0xFFFFFFB0;
	(pc) =	sbr.rel @p0 .LBB2_2-.Ltmp0, $4  }
0x9b: {  	[tilespmem:s11], [sflag:$0x3] =	stream.linear.gather [hbm4b:s1+s4], $0x50, $0x38;
	[tilespmem:$0xC940] =	vst v63  }
0x9c: {  	_ =	swait.ge [sflag:s6], $0x50  }
0x9d: {  	[sflag:s6] =	ssyncset.done $0x0  }
0x9e: {  	s21 =	sadd.s32 $0xA0, s21;
	[sflag:s6] =	ssyncadd.s32 $0xFFFFFFB0  }
0x9f: {  	[tilespmem:s12], [sflag:$0x2] =	stream.indirect.gather [hbm4b:s13+s9], $0x40, s10, s9, $0xb8;
	[tilespmem:$0xC940] =	vst v63  }
0xa0: {  	_ =	swait.ge [sflag:s17], $0x1400  }
0xa1: {  	[sflag:s17] =	ssyncset.done $0x0  }
0xa2: {  	[sflag:s17] =	ssyncadd.s32 $0xFFFFEC00  }
0xa3: {  	[spmem:s2] =	stream.indirect.scatter.add.f32 [tilespmem:s5], [sflag:$0x3], $0x40, s8, s9, $0xb8;
	[tilespmem:$0xC940] =	vst v63  }
0xa4: {  	_ =	swait.ge [sflag:s6], $0x1400  }
0xa5: {  	[sflag:s6] =	ssyncset.done $0x0  }
0xa6: {  	s1 =	rddreg [dreg:$0x13];
	[sflag:s6] =	ssyncadd.s32 $0xFFFFEC00  }
0xa7: {  	[tilespmem:s7], [sflag:$0x3] =	stream.linear.gather [hbm4b:s1+s4], $0x50, $0x38;
	[tilespmem:$0xC940] =	vst v63  }
0xa8: {  	_ =	swait.ge [sflag:s6], $0x50  }
0xa9: {  	[sflag:s6] =	ssyncset.done $0x0  }
0xaa: {  	[sflag:s6] =	ssyncadd.s32 $0xFFFFFFB0  }
0xab: {  	[tilespmem:s5], [sflag:$0x1] =	stream.indirect.gather [hbm4b:s13+s9], $0x40, s7, s9, $0xb8;
	[tilespmem:$0xC940] =	vst v63  }
0xac: {  	_ =	swait.ge [sflag:s17], $0x1400  }
0xad: {  	[sflag:s17] =	ssyncset.done $0x0  }
0xae: {  	[sflag:s17] =	ssyncadd.s32 $0xFFFFEC00  }
0xaf: {  	_ =	swait.ge [sflag:s18], $0x1400  }
0xb0: {  	[sflag:s18] =	ssyncset.done $0x0  }
0xb1: {  	[sflag:s18] =	ssyncadd.s32 $0xFFFFEC00  }
0xb2: {  	[bflag:$0x0] =	sbarrier.arrive $0xFFFF  }
0xb3: {  	s21 =	rddreg [dreg:$0x10]  }
0xb4: {  	[tilespmem:s5], [sflag:$0x3] =	stream.linear.gather [spmem:s21], $0x1400, $0x38;
	[tilespmem:$0xC940] =	vst v63  }
0xb5: {  	_ =	swait.ge [sflag:s6], $0x1400  }
0xb6: {  	[sflag:s6] =	ssyncset.done $0x0  }
0xb7: {  	s22 =	rddreg [dreg:$0x4];
	[sflag:s6] =	ssyncadd.s32 $0xFFFFEC00  }
0xb8: {  	[hbm4b:s22+s4] =	stream.linear.scatter [tilespmem:s5], [sflag:$0x3], $0x1400, $0x38;
	[tilespmem:$0xC940] =	vst v63  }
0xb9: {  	_ =	swait.ge [sflag:s6], $0x1400  }
0xba: {  	[sflag:s6] =	ssyncset.done $0x0  }
0xbb: {  	[sflag:s6] =	ssyncadd.s32 $0xFFFFEC00  }
0xbc: {  	[tilespmem:s5], [sflag:$0x3] =	stream.linear.gather [spmem:s23], $0x1400, $0x38;
	[tilespmem:$0xC940] =	vst v63  }
0xbd: {  	_ =	swait.ge [sflag:s6], $0x1400  }
0xbe: {  	[sflag:s6] =	ssyncset.done $0x0  }
0xbf: {  	s16 =	rddreg [dreg:$0x5];
	[sflag:s6] =	ssyncadd.s32 $0xFFFFEC00  }
0xc0: {  	[hbm4b:s16+s4] =	stream.linear.scatter [tilespmem:s5], [sflag:$0x3], $0x1400, $0x38;
	[tilespmem:$0xC940] =	vst v63  }
0xc1: {  	_ =	swait.ge [sflag:s6], $0x1400  }
0xc2: {  	[sflag:s6] =	ssyncset.done $0x0  }
0xc3: {  	[sflag:s6] =	ssyncadd.s32 $0xFFFFEC00  }
0xc4: {  	[tilespmem:s5], [sflag:$0x3] =	stream.linear.gather [spmem:s24], $0x1400, $0x38;
	[tilespmem:$0xC940] =	vst v63  }
0xc5: {  	_ =	swait.ge [sflag:s6], $0x1400  }
0xc6: {  	[sflag:s6] =	ssyncset.done $0x0  }
0xc7: {  	s20 =	rddreg [dreg:$0x6];
	[sflag:s6] =	ssyncadd.s32 $0xFFFFEC00  }
0xc8: {  	[hbm4b:s20+s4] =	stream.linear.scatter [tilespmem:s5], [sflag:$0x3], $0x1400, $0x38;
	[tilespmem:$0xC940] =	vst v63  }
0xc9: {  	_ =	swait.ge [sflag:s6], $0x1400  }
0xca: {  	[sflag:s6] =	ssyncset.done $0x0  }
0xcb: {  	[sflag:s6] =	ssyncadd.s32 $0xFFFFEC00  }
0xcc: {  	[tilespmem:s5], [sflag:$0x3] =	stream.linear.gather [spmem:s25], $0x1400, $0x38;
	[tilespmem:$0xC940] =	vst v63  }
0xcd: {  	_ =	swait.ge [sflag:s6], $0x1400  }
0xce: {  	[sflag:s6] =	ssyncset.done $0x0  }
0xcf: {  	s21 =	rddreg [dreg:$0x7];
	[sflag:s6] =	ssyncadd.s32 $0xFFFFEC00  }
0xd0: {  	[hbm4b:s21+s4] =	stream.linear.scatter [tilespmem:s5], [sflag:$0x3], $0x1400, $0x38;
	[tilespmem:$0xC940] =	vst v63  }
0xd1: {  	_ =	swait.ge [sflag:s6], $0x1400  }
0xd2: {  	[sflag:s6] =	ssyncset.done $0x0  }
0xd3: {  	[sflag:s6] =	ssyncadd.s32 $0xFFFFEC00  }
0xd4: {  	[tilespmem:s5], [sflag:$0x3] =	stream.linear.gather [spmem:s26], $0x1400, $0x38;
	[tilespmem:$0xC940] =	vst v63  }
0xd5: {  	_ =	swait.ge [sflag:s6], $0x1400  }
0xd6: {  	[sflag:s6] =	ssyncset.done $0x0  }
0xd7: {  	s22 =	rddreg [dreg:$0x8];
	[sflag:s6] =	ssyncadd.s32 $0xFFFFEC00  }
0xd8: {  	[hbm4b:s22+s4] =	stream.linear.scatter [tilespmem:s5], [sflag:$0x3], $0x1400, $0x38;
	[tilespmem:$0xC940] =	vst v63  }
0xd9: {  	_ =	swait.ge [sflag:s6], $0x1400  }
0xda: {  	[sflag:s6] =	ssyncset.done $0x0  }
0xdb: {  	[sflag:s6] =	ssyncadd.s32 $0xFFFFEC00  }
0xdc: {  	[tilespmem:s5], [sflag:$0x3] =	stream.linear.gather [spmem:s28], $0x1400, $0x38;
	[tilespmem:$0xC940] =	vst v63  }
0xdd: {  	_ =	swait.ge [sflag:s6], $0x1400  }
0xde: {  	[sflag:s6] =	ssyncset.done $0x0  }
0xdf: {  	s16 =	rddreg [dreg:$0x9];
	[sflag:s6] =	ssyncadd.s32 $0xFFFFEC00  }
0xe0: {  	[hbm4b:s16+s4] =	stream.linear.scatter [tilespmem:s5], [sflag:$0x3], $0x1400, $0x38;
	[tilespmem:$0xC940] =	vst v63  }
0xe1: {  	_ =	swait.ge [sflag:s6], $0x1400  }
0xe2: {  	[sflag:s6] =	ssyncset.done $0x0  }
0xe3: {  	[sflag:s6] =	ssyncadd.s32 $0xFFFFEC00  }
0xe4: {  	[tilespmem:s5], [sflag:$0x3] =	stream.linear.gather [spmem:s29], $0x1400, $0x38;
	[tilespmem:$0xC940] =	vst v63  }
0xe5: {  	_ =	swait.ge [sflag:s6], $0x1400  }
0xe6: {  	[sflag:s6] =	ssyncset.done $0x0  }
0xe7: {  	s20 =	rddreg [dreg:$0xa];
	[sflag:s6] =	ssyncadd.s32 $0xFFFFEC00  }
0xe8: {  	[hbm4b:s20+s4] =	stream.linear.scatter [tilespmem:s5], [sflag:$0x3], $0x1400, $0x38;
	[tilespmem:$0xC940] =	vst v63  }
0xe9: {  	_ =	swait.ge [sflag:s6], $0x1400  }
0xea: {  	[sflag:s6] =	ssyncset.done $0x0  }
0xeb: {  	[sflag:s6] =	ssyncadd.s32 $0xFFFFEC00  }
0xec: {  	[tilespmem:s5], [sflag:$0x3] =	stream.linear.gather [spmem:s30], $0x1400, $0x38;
	[tilespmem:$0xC940] =	vst v63  }
0xed: {  	_ =	swait.ge [sflag:s6], $0x1400  }
0xee: {  	[sflag:s6] =	ssyncset.done $0x0  }
0xef: {  	s21 =	rddreg [dreg:$0xb];
	[sflag:s6] =	ssyncadd.s32 $0xFFFFEC00  }
0xf0: {  	[hbm4b:s21+s4] =	stream.linear.scatter [tilespmem:s5], [sflag:$0x3], $0x1400, $0x38;
	[tilespmem:$0xC940] =	vst v63  }
0xf1: {  	_ =	swait.ge [sflag:s6], $0x1400  }
0xf2: {  	s19 =	sadd.s32 $0x1, s19;
	s22 =	rddreg [dreg:$0x11]  }
0xf3: {  	p0 =	sne.s32 s19, s22  }
.Ltmp1:
0xf4: {  	_ = 	snop;
	(pc) =	sbr.rel @p0 .LBB2_1-.Ltmp1, $3  }
0xf5: {  	_ =	sdelay $0x1  }
0xf6: {  	[sflag:s6] =	ssyncset.done $0x0  }
0xf7: {  	[sflag:s6] =	ssyncadd.s32 $0xFFFFEC00  }
0xf8: {  	_ =	sfence.sel $0x180000  }
0xf9: {  	[bflag:$0x0] =	sbarrier.arrive $0xFFFF  }
0xfa: {  	_ =	strace $0x9000004D  }
0xfb: {  	s0 =	stileid.u32;
	[bflag:$0x2] =	sbarrier.arrive $0xFFFF  }
0xfc: {  	p0 =	sne.s32 s0, $0x0;
	s0 =	rddreg [dreg:$0x3]  }
0xfd: {  	s0 =	sadd.s32 @!p0 $0x100000, s0  }
0xfe: {  	[sflag:s0] =	ssyncadd.tile.s32 @!p0 $0x1;
	_ =	shalt  }
.Lfunc_end2:
_tile_overlayer_lowered:
.L_overlay_start_2:
0xff: {  	(tag) =	ssettag $0x2  }
0x100: {  	s0 =	rddreg [dreg:$0x0];
	s2 =	stileid.u32  }
0x101: {  	s1 =	rddreg [dreg:$0x1];
	p0 =	sne.s32 s2, $0x0  }
0x102: {  	s3 =	rddreg [dreg:$0x2];
	[bflag:$0x3] =	sbarrier.arrive $0xFFFF;
	s2 =	simm.s32 @!p0 $0x1C03  }
0x103: {  	[timem:s3], [sflag:s2] =	dma.local @!p0 [hbm:s0], s1  }
0x104: {  	s0 =	simm.s32 @!p0 $0x3  }
0x105: {  	_ =	swait.ge @!p0 [sflag:s0], s1  }
0x106: {  	s1 =	ssub.s32 @!p0 $0x0, s1;
	[sflag:s0] =	ssyncset.done @!p0 $0x0  }
0x107: {  	[sflag:s0] =	ssyncadd.s32 @!p0 s1  }
0x108: {  	[bflag:$0x3] =	sbarrier.arrive $0xFFFF  }
0x109: {  	_ =	shalt  }

// kernel: kernel.8.cloned.1.call-start
scs
__scs_entry_jumppad:
0x0: {  	(pc) =	sbr.rel $0x88, $3  }
0x1: {  	(tag) =	ssettag $0x0;
	lr =	simm.s32 $0x1  }
0x2: {  	[smem:$0x3F97] =	sst lr;
	_ =	strace $0xD0000000  }
0x3: {  	_ = 	snop  }
0x4: {  	_ = 	snop  }
0x5: {  	_ = 	snop  }
0x6: {  	_ = 	snop  }
0x7: {  	_ = 	snop  }
__scs_overlays_trampoline_lowered:
0x8: {  	[smem:$0x3FA6] =	sst s0  }
0x9: {  	[smem:$0x3FA7] =	sst s1  }
0xa: {  	[smem:$0x3FA8] =	sst s2  }
0xb: {  	[smem:$0x3FA9] =	sst s3  }
0xc: {  	[smem:$0x3FAA] =	sst s4  }
0xd: {  	[smem:$0x3FAB] =	sst s5  }
0xe: {  	[smem:$0x3FAC] =	sst s6  }
0xf: {  	[smem:$0x3FAD] =	sst s7  }
0x10: {  	[smem:$0x3FAE] =	sst s8  }
0x11: {  	[smem:$0x3FAF] =	sst s9;
	s0 =	simm.s32 @!p0 $0x0  }
0x12: {  	s1 =	sld [smem:$0x3F95];
	s0 =	simm.s32 @p0 $0x1  }
0x13: {  	[smem:$0x3FB0] =	sst s0;
	s0 =	simm.s32 @!p1 $0x0  }
0x14: {  	s2 =	sld [smem:$0x3F94];
	s0 =	simm.s32 @p1 $0x1  }
0x15: {  	[smem:$0x3FB1] =	sst s0;
	s0 =	simm.s32 @!p2 $0x0  }
0x16: {  	s3 =	sld [smem:$0x3FDB];
	s0 =	simm.s32 @p2 $0x1  }
0x17: {  	s4 =	simm.s32 $0x1BF5;
	[smem:$0x3FB3] =	sst s0  }
0x18: {  	s0 =	sld [smem:$0x3F96];
	_ =	swait.ge [sflag:s4], $0x0  }
0x19: {  	s7 =	sld [smem:$0x3F97]  }
0x1a: {  	s8 =	sadd.s32 $0xFFFFE003, lr  }
0x1b: {  	s9 =	sadd.s32 $0xFFFFFEF7, lr;
	s5 =	simm.s32 $0xFFFFFFFF;
	p2 =	slt.u32 s8, $0xFFFFF086  }
0x1c: {  	p1 =	slt.u32 s9, $0xF7A;
	s5 =	simm.s32 @!p2 $0x0  }
0x1d: {  	s5 =	simm.s32 @p1 $0x1;
	p0 =	seq.s32 s7, s2  }
0x1e: {  	s7 =	smul.u32 @!p0 $0xF7A, s2;
	p2 =	seq.s32 @!p0 s5, $0x0  }
0x1f: {  	s9 =	smul.u32 $0xF7A, s1;
	s8 =	simm.s32 @!p0 $0x1BF5;
	p2 =	por !p2, p0  }
0x20: {  	[sflag:s8] =	ssyncset.s32 @!p0 $0xFFFFF086;
	s6 =	sadd.s32 @!p0 s3, s7;
	s7 =	simm.s32 @!p0 $0x108  }
0x21: {  	s3 =	sadd.s32 s3, s9;
	s6 =	sadd.s32 @!p0 $0x88, s6;
	s7 =	simm.s32 @p2 $0x1082  }
0x22: {  	[simem:s7], [sflag:s8] =	dma.local @!p0 [hbm:s6], $0xF7A  }
0x23: {  	s9 =	sor.u32 $0xD0000000, s2;
	s6 =	simm.s32 $0x108;
	_ =	swait.ge @!p0 [sflag:s8], $0x0  }
0x24: {  	s3 =	sadd.s32 $0x88, s3;
	s6 =	simm.s32 @!p1 $0x1082;
	[sflag:s4] =	ssyncset.s32 $0xFFFFF086  }
0x25: {  	[simem:s6], [sflag:s4] =	dma.local [hbm:s3], $0xF7A  }
0x26: {  	[smem:$0x3F97] =	sst s1;
	(tag) =	ssettag s2;
	_ =	strace s9  }
0x27: {  	s1 =	sld [smem:$0x3FA7]  }
0x28: {  	s2 =	sld [smem:$0x3FA8]  }
0x29: {  	s4 =	sld [smem:$0x3FAA]  }
0x2a: {  	p0 =	seq.s32 s5, $0x0;
	s5 =	sld [smem:$0x3FAB]  }
0x2b: {  	s6 =	sld [smem:$0x3FAC]  }
0x2c: {  	s7 =	sld [smem:$0x3FAD]  }
0x2d: {  	s3 =	simm.s32 $0x108;
	s8 =	sld [smem:$0x3FAE]  }
0x2e: {  	s3 =	simm.s32 @!p0 $0x1082;
	s9 =	sld [smem:$0x3FAF]  }
0x2f: {  	lr =	sadd.s32 s0, s3;
	s0 =	sld [smem:$0x3FA6]  }
0x30: {  	s3 =	sld [smem:$0x3FA9]  }
0x31: {  	[smem:$0x3FB2] =	sst s10  }
0x32: {  	s10 =	sld [smem:$0x3FB0];
	_ =	sdelay $0x3  }
0x33: {  	p0 =	seq.s32 s10, $0x1;
	s10 =	sld [smem:$0x3FB2];
	_ =	sdelay $0x3  }
0x34: {  	[smem:$0x3FB2] =	sst s10  }
0x35: {  	s10 =	sld [smem:$0x3FB1];
	_ =	sdelay $0x3  }
0x36: {  	p1 =	seq.s32 s10, $0x1;
	s10 =	sld [smem:$0x3FB2];
	_ =	sdelay $0x3  }
0x37: {  	[smem:$0x3FB2] =	sst s10  }
0x38: {  	s10 =	sld [smem:$0x3FB3]  }
0x39: {  	_ = 	snop;
	(pc) =	sbr.ind lr, $3  }
0x3a: {  	_ = 	snop  }
0x3b: {  	_ = 	snop  }
0x3c: {  	p2 =	seq.s32 s10, $0x1;
	s10 =	sld [smem:$0x3FB2]  }
0x3d: {  	_ =	shalt  }
0x3e: {  	_ =	shalt  }
0x3f: {  	_ =	shalt  }
0x40: {  	_ =	shalt  }
0x41: {  	_ =	shalt  }
0x42: {  	_ =	shalt  }
0x43: {  	_ =	shalt  }
0x44: {  	_ =	shalt  }
0x45: {  	_ =	shalt  }
0x46: {  	_ =	shalt  }
0x47: {  	_ =	shalt  }
0x48: {  	_ =	shalt  }
0x49: {  	_ =	shalt  }
0x4a: {  	_ =	shalt  }
0x4b: {  	_ =	shalt  }
0x4c: {  	_ =	shalt  }
0x4d: {  	_ =	shalt  }
0x4e: {  	_ =	shalt  }
0x4f: {  	_ =	shalt  }
0x50: {  	_ =	shalt  }
0x51: {  	_ =	shalt  }
0x52: {  	_ =	shalt  }
0x53: {  	_ =	shalt  }
0x54: {  	_ =	shalt  }
0x55: {  	_ =	shalt  }
0x56: {  	_ =	shalt  }
0x57: {  	_ =	shalt  }
0x58: {  	_ =	shalt  }
0x59: {  	_ =	shalt  }
0x5a: {  	_ =	shalt  }
0x5b: {  	_ =	shalt  }
0x5c: {  	_ =	shalt  }
0x5d: {  	_ =	shalt  }
0x5e: {  	_ =	shalt  }
0x5f: {  	_ =	shalt  }
0x60: {  	_ =	shalt  }
0x61: {  	_ =	shalt  }
0x62: {  	_ =	shalt  }
0x63: {  	_ =	shalt  }
0x64: {  	_ =	shalt  }
0x65: {  	_ =	shalt  }
0x66: {  	_ =	shalt  }
0x67: {  	_ =	shalt  }
0x68: {  	_ =	shalt  }
0x69: {  	_ =	shalt  }
0x6a: {  	_ =	shalt  }
0x6b: {  	_ =	shalt  }
0x6c: {  	_ =	shalt  }
0x6d: {  	_ =	shalt  }
0x6e: {  	_ =	shalt  }
0x6f: {  	_ =	shalt  }
0x70: {  	_ =	shalt  }
0x71: {  	_ =	shalt  }
0x72: {  	_ =	shalt  }
0x73: {  	_ =	shalt  }
0x74: {  	_ =	shalt  }
0x75: {  	_ =	shalt  }
0x76: {  	_ =	shalt  }
0x77: {  	_ =	shalt  }
0x78: {  	_ =	shalt  }
0x79: {  	_ =	shalt  }
0x7a: {  	_ =	shalt  }
0x7b: {  	_ =	shalt  }
0x7c: {  	_ =	shalt  }
0x7d: {  	_ =	shalt  }
0x7e: {  	_ =	shalt  }
0x7f: {  	_ =	shalt  }
0x80: {  	_ =	shalt  }
0x81: {  	_ =	shalt  }
0x82: {  	_ =	shalt  }
0x83: {  	_ =	shalt  }
0x84: {  	_ =	shalt  }
0x85: {  	_ =	shalt  }
0x86: {  	_ =	shalt  }
0x87: {  	_ =	shalt  }
.Lfunc_end0:
.L_simem_size_0:
called_computation_lowered:
.L_overlay_start_0:
0x88: {  	s2 =	sld [smem:$0x3FD9]  }
0x89: {  	s3 =	sld [smem:$0x3FFE];
	_ =	sdelay $0x1  }
0x8a: {  	s1 =	srdreg.scid  }
0x8b: {  	s0 =	sand.u32 $0x1, s1  }
0x8c: {  	s17 =	sshll.u32 s0, $0xA;
	s2 =	sadd.s32 s3, s2  }
0x8d: {  	s2 =	sadd.s32 s2, s17  }
0x8e: {  	[smem:$0x3FBE] =	sst s2  }
0x8f: {  	_ = 	snop  }
0x90: {  	s2 =	sld [smem:$0x3FD0];
	(tm) =	ssettm $0x1  }
0x91: {  	s18 =	sld [smem:$0x3FFB];
	_ =	sdelay $0x3  }
0x92: {  	_ =	strace s18  }
0x93: {  	s3 =	sld [smem:$0x3FFC];
	_ =	sdelay $0x3  }
0x94: {  	_ =	strace s3  }
0x95: {  	s3 =	sld [smem:$0x3FFD];
	_ =	sdelay $0x3  }
0x96: {  	_ =	strace s3  }
0x97: {  	_ =	strace $0x8FFFFFFF  }
0x98: {  	s19 =	sld [smem:$0x3FDB];
	_ =	sdelay $0x1  }
0x99: {  	s4 =	simm.s32 $_scs_section_size  }
0x9a: {  	s5 =	simm.s32 $_size__tile_overlayer_lowered;
	s6 =	simm.s32 $_tile_overlayer_lowered  }
0x9b: {  	s22 =	simm.s32 $0x1BFF;
	s21 =	sshll.u32 s6, $0x1;
	s3 =	sadd.s32 s4, s19  }
0x9c: {  	s7 =	simm.s32 $0x0;
	s20 =	sshll.u32 s5, $0x1;
	s5 =	sadd.s32 s21, s3  }
0x9d: {  	[timem:s7], [sflag:s22] =	dma.local [hbm:s5], s20  }
0x9e: {  	_ =	swait.ge [sflag:s22], s20  }
0x9f: {  	s4 =	ssub.s32 $0x0, s20;
	[sflag:s22] =	ssyncset.done $0x0  }
0xa0: {  	[sflag:s22] =	ssyncadd.s32 s4;
	_ =	sdelay $0x1  }
0xa1: {  	s23 =	simm.s32 $0x1B8B  }
0xa2: {  	_ =	swait.ge [sflag:s23], $0x1  }
0xa3: {  	[sflag:s23] =	ssyncset.done $0x0  }
0xa4: {  	s25 =	simm.s32 $0x1B8E;
	s24 =	sld [smem:$0x3FFE];
	[sflag:s23] =	ssyncadd.s32 $0xFFFFFFFF  }
0xa5: {  	s26 =	simm.s32 $execute0_lowered;
	[smem:$0x3FD2] =	sst s25  }
0xa6: {  	s5 =	sshll.u32 s26, $0x1;
	_ =	strace $0x80000046;
	[dreg:$0x1] =	wrdreg $0xFFFFFFFF  }
0xa7: {  	s28 =	simm.s32 $_size_execute0_lowered;
	s3 =	sadd.s32 s3, s5;
	[dreg:$0x0] =	wrdreg $0x0  }
0xa8: {  	s5 =	sshll.u32 s28, $0x1;
	[dreg:$0x2] =	wrdreg s3  }
0xa9: {  	[dreg:$0x3] =	wrdreg s5  }
0xaa: {  	[dreg:$0x4] =	wrdreg $0xC0  }
0xab: {  	_ =	task [dreg:s7], $0x5FFFF  }
0xac: {  	[dreg:$0x1] =	wrdreg $0xFFFFFFFF  }
0xad: {  	[dreg:$0x0] =	wrdreg $0x60  }
0xae: {  	[dreg:$0x2] =	wrdreg s24  }
0xaf: {  	[dreg:$0x3] =	wrdreg s2  }
0xb0: {  	[dreg:$0x4] =	wrdreg $0x0  }
0xb1: {  	[dreg:$0x5] =	wrdreg $0x9  }
0xb2: {  	_ =	task.clear_ibuf [dreg:s7], $0x6FFFF;
	_ =	strace $0x90000046  }
0xb3: {  	s29 =	simm.s32 $0x9;
	_ =	strace $0x80000048  }
0xb4: {  	_ =	swait.ge [sflag:s29], $0x1  }
0xb5: {  	[sflag:s29] =	ssyncadd.s32 $0xFFFFFFFF  }
0xb6: {  	_ =	strace $0x90000048  }
0xb7: {  	_ =	sfence  }
0xb8: {  	s30 =	sld [smem:$0x0];
	_ =	sdelay $0x2  }
0xb9: {  	s31 =	sshll.u32 s1, $0xD;
	s1 =	sshrl.u32 s1, $0x2  }
0xba: {  	s3 =	sand.u32 $0x4000, s31;
	s1 =	sadd.s32 s1, s30  }
0xbb: {  	s0 =	sor.u32 s3, s0;
	s1 =	sshll.u32 s1, $0x11  }
0xbc: {  	s0 =	sor.u32 s1, s0  }
0xbd: {  	s0 =	sadd.s32 $0x8F2B, s0  }
0xbe: {  	[sflag:s0] =	ssyncadd.remote.s32 $0x1  }
0xbf: {  	_ =	sfence.sel $0xFFFF  }
0xc0: {  	[dreg:$0x0] =	wrdreg $0xFFFFFFFF;
	(pc) =	sbr.abs _section_cstart, $3  }
0xc1: {  	[dreg:$0x1] =	wrdreg $0xFFFFFFFF  }
0xc2: {  	_ =	task.clear_ibuf [dreg:s7], $0x2FFFF;
	_ =	strace $0x9FFFFFFF  }
0xc3: {  	(tm) =	ssettm $0x7FFFFFFF  }
tec
execute0_lowered:
.L_overlay_start_1:
0x0: {  	(tag) =	ssettag $0x1  }
0x1: {  	s0 =	srdreg.scid;
	s1 =	rddreg [dreg:$0x0]  }
0x2: {  	s24 =	rddreg [dreg:$0x1];
	s10 =	stileid.u32  }
0x3: {  	s2 =	rddreg [dreg:$0x2];
	s31 =	simm.s32 $0x1;
	s9 =	smul.u32 $0xA000, s10  }
0x4: {  	s0 =	sand.u32 $0x1, s0;
	s5 =	sadd.s32 $0xCA00, s1;
	s16 =	smul.u32 $0x2800, s10  }
0x5: {  	s3 =	sshll.u32 s0, $0x4;
	s7 =	ssub.s32 $0x2, s0;
	s0 =	smul.u32 $0x28000, s0  }
0x6: {  	s4 =	sor.u32 s10, s3;
	s3 =	simm.s32 $0x0;
	s8 =	sshrl.u32 s7, $0x1  }
0x7: {  	s9 =	sshrl.u32 s9, $0x2;
	s29 =	sor.u32 $0x500, s16;
	s17 =	sadd.s32 $0xA00, s16  }
0x8: {  	s18 =	sadd.s32 $0xF00, s16;
	s19 =	sadd.s32 $0x1400, s16;
	s20 =	sadd.s32 $0x1900, s16  }
0x9: {  	s21 =	sadd.s32 $0x1E00, s16;
	s22 =	sadd.s32 $0x2300, s16;
	s4 =	smul.u32 $0x4E2, s4  }
0xa: {  	[smem:$0x7FF] =	sst s3;
	s26 =	ssub.s32 s7, s8;
	s7 =	sadd.s32 s16, s2  }
0xb: {  	s9 =	sadd.s32 s9, s2;
	s10 =	sadd.s32 s29, s2;
	s11 =	sadd.s32 s17, s2  }
0xc: {  	s12 =	sadd.s32 s18, s2;
	s13 =	sadd.s32 s19, s2;
	s14 =	sadd.s32 s20, s2  }
0xd: {  	s15 =	sadd.s32 s21, s2;
	s23 =	sadd.s32 s0, s16;
	s25 =	sadd.s32 s0, s17  }
0xe: {  	s28 =	sadd.s32 s0, s19;
	s30 =	sadd.s32 s0, s21;
	s16 =	sadd.s32 s22, s2  }
0xf: {  	_ =	strace $0x80000047;
	s8 =	smax.u32 s26, $0x1;
	s26 =	sadd.s32 s0, s18  }
0x10: {  	s21 =	sshrl.u32 s23, $0x3;
	s6 =	sadd.s32 s4, s1;
	s4 =	sadd.s32 $0xCC00, s1  }
0x11: {  	s1 =	sadd.s32 s0, s29;
	s29 =	sadd.s32 s0, s20;
	s0 =	sadd.s32 s0, s22  }
0x12: {  	s17 =	sadd.s32 s24, s21;
	s22 =	sshrl.u32 s25, $0x3;
	s23 =	sshrl.u32 s26, $0x3  }
0x13: {  	s25 =	sshrl.u32 s28, $0x3;
	s28 =	simm.s32 $0x4F10;
	s6 =	sadd.s32 $0x2C00, s6  }
0x14: {  	s1 =	sshrl.u32 s1, $0x3;
	s19 =	sadd.s32 s24, s22;
	s20 =	sadd.s32 s24, s23  }
0x15: {  	s21 =	sadd.s32 s24, s25;
	s26 =	sshrl.u32 s29, $0x3;
	s29 =	sshrl.u32 s30, $0x3  }
0x16: {  	s0 =	sshrl.u32 s0, $0x3;
	s25 =	simm.s32 $0x5410;
	s30 =	simm.s32 $0x50  }
0x17: {  	s18 =	sadd.s32 s24, s1;
	s22 =	sadd.s32 s24, s26;
	s23 =	sadd.s32 s24, s29  }
0x18: {  	s24 =	sadd.s32 s24, s0;
	s26 =	simm.s32 $0x2;
	s1 =	simm.s32 $0x0  }
.LBB2_1:
0x19: {  	[tilespmem:s25], [sflag:$0x2] =	stream.linear.gather [hbm4b:s5+s3], $0x500, $0x38;
	[tilespmem:$0x5910] =	vst v63  }
0x1a: {  	_ =	swait.ge [sflag:s26], $0x500  }
0x1b: {  	[sflag:s26] =	ssyncset.done $0x0  }
0x1c: {  	[sflag:s26] =	ssyncadd.s32 $0xFFFFFB00  }
0x1d: {  	[tilespmem:s28], [sflag:$0x2] =	stream.linear.gather [hbm4b:s4+s3], $0x500, $0x38;
	[tilespmem:$0x5910] =	vst v63  }
0x1e: {  	_ =	swait.ge [sflag:s26], $0x500  }
0x1f: {  	[sflag:s26] =	ssyncset.done $0x0  }
0x20: {  	[sflag:s26] =	ssyncadd.s32 $0xFFFFFB00  }
0x21: {  	[spmem:s9] =	stream.linear.scatter [tilespmem:s25], [sflag:$0x2], $0x500, $0x38;
	[tilespmem:$0x5910] =	vst v63  }
0x22: {  	_ =	swait.ge [sflag:s26], $0x500  }
0x23: {  	[sflag:s26] =	ssyncset.done $0x0  }
0x24: {  	[sflag:s26] =	ssyncadd.s32 $0xFFFFFB00  }
0x25: {  	[spmem:s10] =	stream.linear.scatter [tilespmem:s25], [sflag:$0x2], $0x500, $0x38;
	[tilespmem:$0x5910] =	vst v63  }
0x26: {  	_ =	swait.ge [sflag:s26], $0x500  }
0x27: {  	[sflag:s26] =	ssyncset.done $0x0  }
0x28: {  	[sflag:s26] =	ssyncadd.s32 $0xFFFFFB00  }
0x29: {  	[spmem:s11] =	stream.linear.scatter [tilespmem:s25], [sflag:$0x2], $0x500, $0x38;
	[tilespmem:$0x5910] =	vst v63  }
0x2a: {  	_ =	swait.ge [sflag:s26], $0x500  }
0x2b: {  	[sflag:s26] =	ssyncset.done $0x0  }
0x2c: {  	[sflag:s26] =	ssyncadd.s32 $0xFFFFFB00  }
0x2d: {  	[spmem:s12] =	stream.linear.scatter [tilespmem:s25], [sflag:$0x2], $0x500, $0x38;
	[tilespmem:$0x5910] =	vst v63  }
0x2e: {  	_ =	swait.ge [sflag:s26], $0x500  }
0x2f: {  	[sflag:s26] =	ssyncset.done $0x0  }
0x30: {  	[sflag:s26] =	ssyncadd.s32 $0xFFFFFB00  }
0x31: {  	[spmem:s13] =	stream.linear.scatter [tilespmem:s25], [sflag:$0x2], $0x500, $0x38;
	[tilespmem:$0x5910] =	vst v63  }
0x32: {  	_ =	swait.ge [sflag:s26], $0x500  }
0x33: {  	[sflag:s26] =	ssyncset.done $0x0  }
0x34: {  	[sflag:s26] =	ssyncadd.s32 $0xFFFFFB00  }
0x35: {  	[spmem:s14] =	stream.linear.scatter [tilespmem:s25], [sflag:$0x2], $0x500, $0x38;
	[tilespmem:$0x5910] =	vst v63  }
0x36: {  	_ =	swait.ge [sflag:s26], $0x500  }
0x37: {  	[sflag:s26] =	ssyncset.done $0x0  }
0x38: {  	[sflag:s26] =	ssyncadd.s32 $0xFFFFFB00  }
0x39: {  	[spmem:s15] =	stream.linear.scatter [tilespmem:s25], [sflag:$0x2], $0x500, $0x38;
	[tilespmem:$0x5910] =	vst v63  }
0x3a: {  	_ =	swait.ge [sflag:s26], $0x500  }
0x3b: {  	[sflag:s26] =	ssyncset.done $0x0  }
0x3c: {  	[sflag:s26] =	ssyncadd.s32 $0xFFFFFB00  }
0x3d: {  	[spmem:s16] =	stream.linear.scatter [tilespmem:s25], [sflag:$0x2], $0x500, $0x38;
	[tilespmem:$0x5910] =	vst v63  }
0x3e: {  	_ =	swait.ge [sflag:s26], $0x500  }
0x3f: {  	[sflag:s26] =	ssyncset.done $0x0  }
0x40: {  	s0 =	simm.s32 $0x2800;
	[sflag:s26] =	ssyncadd.s32 $0xFFFFFB00  }
0x41: {  	[tilespmem:s0], [sflag:$0x2] =	stream.linear.gather [hbm4b:s6+s3], $0x2710, $0x38;
	[tilespmem:$0x5910] =	vst v63  }
0x42: {  	_ =	swait.ge [sflag:s26], $0x2710  }
0x43: {  	[sflag:s26] =	ssyncset.done $0x0  }
0x44: {  	[sflag:s26] =	ssyncadd.s32 $0xFFFFD8F0  }
0x45: {  	s0 =	simm.s32 $0x0;
	[bflag:$0x0] =	sbarrier.arrive $0xFFFF  }
.LBB2_2:
0x46: {  	p0 =	sne.s32 s0, $0x9B00  }
.Ltmp0:
0x47: {  	_ = 	snop;
	(pc) =	sbr.rel @p0 .LBB2_2-.Ltmp0, $4  }
0x48: {  	_ = 	snop  }
0x49: {  	s29 =	sshra.s32 s0, $0x2  }
0x4a: {  	s0 =	sadd.s32 $0x140, s0;
	s29 =	sadd.s32 $0x2800, s29  }
0x4b: {  	[spmem:s2] =	stream.indirect.scatter.add.f32 [tilespmem:s28], [sflag:$0x1], $0x10, s29, s30, $0xb8;
	[tilespmem:$0x5910] =	vst v63  }
0x4c: {  	_ =	swait.ge [sflag:s31], $0x500  }
0x4d: {  	s0 =	simm.s32 $0x7C;
	[sflag:s31] =	ssyncset.done $0x0  }
.LBB2_4:
0x4e: {  	p0 =	sne.s32 s0, $0x1;
	s0 =	sadd.s32 $0xFFFFFFFF, s0;
	[sflag:s31] =	ssyncadd.s32 $0xFFFFFB00  }
.Ltmp1:
0x4f: {  	(pc) =	sbr.rel @p0 .LBB2_4-.Ltmp1, $3  }
0x50: {  	_ =	sdelay $0x1  }
0x51: {  	_ =	swait.ge [sflag:s31], $0x500  }
0x52: {  	[sflag:s31] =	ssyncset.done $0x0  }
0x53: {  	[sflag:s31] =	ssyncadd.s32 $0xFFFFFB00  }
0x54: {  	[bflag:$0x0] =	sbarrier.arrive $0xFFFF  }
0x55: {  	[tilespmem:s25], [sflag:$0x2] =	stream.linear.gather [spmem:s7], $0x500, $0x38;
	[tilespmem:$0x5910] =	vst v63  }
0x56: {  	_ =	swait.ge [sflag:s26], $0x500  }
0x57: {  	[sflag:s26] =	ssyncset.done $0x0  }
0x58: {  	[sflag:s26] =	ssyncadd.s32 $0xFFFFFB00  }
0x59: {  	[hbm4b:s17+s3] =	stream.linear.scatter [tilespmem:s25], [sflag:$0x2], $0x500, $0x38;
	[tilespmem:$0x5910] =	vst v63  }
0x5a: {  	_ =	swait.ge [sflag:s26], $0x500  }
0x5b: {  	[sflag:s26] =	ssyncset.done $0x0  }
0x5c: {  	[sflag:s26] =	ssyncadd.s32 $0xFFFFFB00  }
0x5d: {  	[tilespmem:s25], [sflag:$0x2] =	stream.linear.gather [spmem:s10], $0x500, $0x38;
	[tilespmem:$0x5910] =	vst v63  }
0x5e: {  	_ =	swait.ge [sflag:s26], $0x500  }
0x5f: {  	[sflag:s26] =	ssyncset.done $0x0  }
0x60: {  	[sflag:s26] =	ssyncadd.s32 $0xFFFFFB00  }
0x61: {  	[hbm4b:s18+s3] =	stream.linear.scatter [tilespmem:s25], [sflag:$0x2], $0x500, $0x38;
	[tilespmem:$0x5910] =	vst v63  }
0x62: {  	_ =	swait.ge [sflag:s26], $0x500  }
0x63: {  	[sflag:s26] =	ssyncset.done $0x0  }
0x64: {  	[sflag:s26] =	ssyncadd.s32 $0xFFFFFB00  }
0x65: {  	[tilespmem:s25], [sflag:$0x2] =	stream.linear.gather [spmem:s11], $0x500, $0x38;
	[tilespmem:$0x5910] =	vst v63  }
0x66: {  	_ =	swait.ge [sflag:s26], $0x500  }
0x67: {  	[sflag:s26] =	ssyncset.done $0x0  }
0x68: {  	[sflag:s26] =	ssyncadd.s32 $0xFFFFFB00  }
0x69: {  	[hbm4b:s19+s3] =	stream.linear.scatter [tilespmem:s25], [sflag:$0x2], $0x500, $0x38;
	[tilespmem:$0x5910] =	vst v63  }
0x6a: {  	_ =	swait.ge [sflag:s26], $0x500  }
0x6b: {  	[sflag:s26] =	ssyncset.done $0x0  }
0x6c: {  	[sflag:s26] =	ssyncadd.s32 $0xFFFFFB00  }
0x6d: {  	[tilespmem:s25], [sflag:$0x2] =	stream.linear.gather [spmem:s12], $0x500, $0x38;
	[tilespmem:$0x5910] =	vst v63  }
0x6e: {  	_ =	swait.ge [sflag:s26], $0x500  }
0x6f: {  	[sflag:s26] =	ssyncset.done $0x0  }
0x70: {  	[sflag:s26] =	ssyncadd.s32 $0xFFFFFB00  }
0x71: {  	[hbm4b:s20+s3] =	stream.linear.scatter [tilespmem:s25], [sflag:$0x2], $0x500, $0x38;
	[tilespmem:$0x5910] =	vst v63  }
0x72: {  	_ =	swait.ge [sflag:s26], $0x500  }
0x73: {  	[sflag:s26] =	ssyncset.done $0x0  }
0x74: {  	[sflag:s26] =	ssyncadd.s32 $0xFFFFFB00  }
0x75: {  	[tilespmem:s25], [sflag:$0x2] =	stream.linear.gather [spmem:s13], $0x500, $0x38;
	[tilespmem:$0x5910] =	vst v63  }
0x76: {  	_ =	swait.ge [sflag:s26], $0x500  }
0x77: {  	[sflag:s26] =	ssyncset.done $0x0  }
0x78: {  	[sflag:s26] =	ssyncadd.s32 $0xFFFFFB00  }
0x79: {  	[hbm4b:s21+s3] =	stream.linear.scatter [tilespmem:s25], [sflag:$0x2], $0x500, $0x38;
	[tilespmem:$0x5910] =	vst v63  }
0x7a: {  	_ =	swait.ge [sflag:s26], $0x500  }
0x7b: {  	[sflag:s26] =	ssyncset.done $0x0  }
0x7c: {  	[sflag:s26] =	ssyncadd.s32 $0xFFFFFB00  }
0x7d: {  	[tilespmem:s25], [sflag:$0x2] =	stream.linear.gather [spmem:s14], $0x500, $0x38;
	[tilespmem:$0x5910] =	vst v63  }
0x7e: {  	_ =	swait.ge [sflag:s26], $0x500  }
0x7f: {  	[sflag:s26] =	ssyncset.done $0x0  }
0x80: {  	[sflag:s26] =	ssyncadd.s32 $0xFFFFFB00  }
0x81: {  	[hbm4b:s22+s3] =	stream.linear.scatter [tilespmem:s25], [sflag:$0x2], $0x500, $0x38;
	[tilespmem:$0x5910] =	vst v63  }
0x82: {  	_ =	swait.ge [sflag:s26], $0x500  }
0x83: {  	[sflag:s26] =	ssyncset.done $0x0  }
0x84: {  	[sflag:s26] =	ssyncadd.s32 $0xFFFFFB00  }
0x85: {  	[tilespmem:s25], [sflag:$0x2] =	stream.linear.gather [spmem:s15], $0x500, $0x38;
	[tilespmem:$0x5910] =	vst v63  }
0x86: {  	_ =	swait.ge [sflag:s26], $0x500  }
0x87: {  	[sflag:s26] =	ssyncset.done $0x0  }
0x88: {  	[sflag:s26] =	ssyncadd.s32 $0xFFFFFB00  }
0x89: {  	[hbm4b:s23+s3] =	stream.linear.scatter [tilespmem:s25], [sflag:$0x2], $0x500, $0x38;
	[tilespmem:$0x5910] =	vst v63  }
0x8a: {  	_ =	swait.ge [sflag:s26], $0x500  }
0x8b: {  	[sflag:s26] =	ssyncset.done $0x0  }
0x8c: {  	[sflag:s26] =	ssyncadd.s32 $0xFFFFFB00  }
0x8d: {  	[tilespmem:s25], [sflag:$0x2] =	stream.linear.gather [spmem:s16], $0x500, $0x38;
	[tilespmem:$0x5910] =	vst v63  }
0x8e: {  	s1 =	sadd.s32 $0x1, s1;
	_ =	swait.ge [sflag:s26], $0x500  }
0x8f: {  	p0 =	sne.s32 s1, s8;
	[sflag:s26] =	ssyncset.done $0x0  }
.Ltmp2:
0x90: {  	[sflag:s26] =	ssyncadd.s32 $0xFFFFFB00;
	(pc) =	sbr.rel @p0 .LBB2_1-.Ltmp2, $4  }
0x91: {  	[hbm4b:s24+s3] =	stream.linear.scatter [tilespmem:s25], [sflag:$0x2], $0x500, $0x38;
	[tilespmem:$0x5910] =	vst v63  }
0x92: {  	_ =	swait.ge [sflag:s26], $0x500  }
0x93: {  	[sflag:s26] =	ssyncset.done $0x0  }
0x94: {  	[sflag:s26] =	ssyncadd.s32 $0xFFFFFB00  }
0x95: {  	_ =	sfence.sel $0x180000  }
0x96: {  	[bflag:$0x0] =	sbarrier.arrive $0xFFFF  }
0x97: {  	_ =	strace $0x90000047  }
0x98: {  	s0 =	stileid.u32;
	[bflag:$0x2] =	sbarrier.arrive $0xFFFF  }
0x99: {  	p0 =	sne.s32 s0, $0x0;
	s0 =	rddreg [dreg:$0x3]  }
0x9a: {  	s0 =	sadd.s32 @!p0 $0x100000, s0  }
0x9b: {  	[sflag:s0] =	ssyncadd.tile.s32 @!p0 $0x1;
	_ =	shalt  }
.Lfunc_end2:
_tile_overlayer_lowered:
.L_overlay_start_2:
0x9c: {  	(tag) =	ssettag $0x2  }
0x9d: {  	s0 =	rddreg [dreg:$0x0];
	s2 =	stileid.u32  }
0x9e: {  	s1 =	rddreg [dreg:$0x1];
	p0 =	sne.s32 s2, $0x0  }
0x9f: {  	s3 =	rddreg [dreg:$0x2];
	[bflag:$0x3] =	sbarrier.arrive $0xFFFF;
	s2 =	simm.s32 @!p0 $0x1C02  }
0xa0: {  	[timem:s3], [sflag:s2] =	dma.local @!p0 [hbm:s0], s1  }
0xa1: {  	s0 =	simm.s32 @!p0 $0x2  }
0xa2: {  	_ =	swait.ge @!p0 [sflag:s0], s1  }
0xa3: {  	s1 =	ssub.s32 @!p0 $0x0, s1;
	[sflag:s0] =	ssyncset.done @!p0 $0x0  }
0xa4: {  	[sflag:s0] =	ssyncadd.s32 @!p0 s1  }
0xa5: {  	[bflag:$0x3] =	sbarrier.arrive $0xFFFF  }
0xa6: {  	_ =	shalt  }

</sc_bundles>
